<compile_context>
chip_gen: v7x
topology: tpu7x:2x2x1
jax: 0.10.2.dev20260603
libtpu: 0.0.44.dev20260713+nightly
codegen_flags: <defaults>
</compile_context>

<pallas_src>
import functools

import jax
import jax.numpy as jnp
from jax import lax
from jax.experimental import pallas as pl
from jax.experimental.pallas import tpu as pltpu
from jax.experimental.pallas import tpu_sc as plsc

H = 64
W = 64
HW = H * W
PW = 2 * W
BPAIR = 4
BIG = 2 ** 31 - 1


def _roll(x, d, axis, backward):
    n = x.shape[axis]
    return pltpu.roll(x, (n - d) if backward else d, axis)


def _flag_pyramid(f0big, axis, backward, dists):
    out = [f0big]
    f = f0big
    for d in dists[:-1]:
        f = jnp.bitwise_or(f, _roll(f, d, axis, backward))
        out.append(f)
    return out


def _seg_scan_min(v, fbs, axis, backward, dists):
    for d, fb in zip(dists, fbs):
        v = jnp.minimum(v, jnp.bitwise_or(_roll(v, d, axis, backward), fb))
    return v


def _shift(x, d, axis, fill, backward):
    n = x.shape[axis]
    pad_shape = list(x.shape)
    pad_shape[axis] = d
    pad = jnp.full(pad_shape, fill, x.dtype)
    if backward:
        return jnp.concatenate([lax.slice_in_dim(x, d, n, axis=axis), pad], axis=axis)
    return jnp.concatenate([pad, lax.slice_in_dim(x, 0, n - d, axis=axis)], axis=axis)


def _cumsum(x, axis):
    n = x.shape[axis]
    d = 1
    while d < n:
        x = x + _shift(x, d, axis, 0, backward=False)
        d *= 2
    return x


_ROW_D = (1, 2, 4, 8, 16, 32)
_COL_D = (1, 2, 4, 8, 16, 32)


def _label_block_kernel(fg_ref, lab_ref, rank_ref, base_ref):
    pid = pl.program_id(0)

    @pl.when(pid == 0)
    def _():
        base_ref[0] = jnp.int32(0)

    shape = (BPAIR, H, PW)
    fgi = fg_ref[...].astype(jnp.int32)
    fg = fgi != 0
    notfg_big = (1 - fgi) * BIG

    b = lax.broadcasted_iota(jnp.int32, shape, 0)
    row = lax.broadcasted_iota(jnp.int32, shape, 1)
    col = lax.broadcasted_iota(jnp.int32, shape, 2)
    half = (col >= W).astype(jnp.int32)
    img = (pid * BPAIR + b) * 2 + half
    gidx = img * HW + row * W + (col & (W - 1))
    lab0 = jnp.where(fg, gidx + 1, BIG)

    rf0 = jnp.bitwise_or(notfg_big, jnp.where((col == W) | (col == 0), BIG, 0))
    rb0 = jnp.bitwise_or(notfg_big,
                         jnp.where((col == W - 1) | (col == PW - 1), BIG, 0))
    cf0 = jnp.bitwise_or(notfg_big, jnp.where(row == 0, BIG, 0))
    cb0 = jnp.bitwise_or(notfg_big, jnp.where(row == H - 1, BIG, 0))
    fb_rf = _flag_pyramid(rf0, 2, False, _ROW_D)
    fb_rb = _flag_pyramid(rb0, 2, True, _ROW_D)
    fb_cf = _flag_pyramid(cf0, 1, False, _COL_D)
    fb_cb = _flag_pyramid(cb0, 1, True, _COL_D)

    def one_iter(l):
        fwd = _seg_scan_min(l, fb_rf, 2, False, _ROW_D)
        bwd = _seg_scan_min(l, fb_rb, 2, True, _ROW_D)
        l = jnp.minimum(fwd, bwd)
        fwd = _seg_scan_min(l, fb_cf, 1, False, _COL_D)
        bwd = _seg_scan_min(l, fb_cb, 1, True, _COL_D)
        return jnp.minimum(fwd, bwd)

    def cond_fn(carry):
        prev, cur = carry
        return jnp.any(prev != cur)

    def body_fn(carry):
        _, cur = carry
        return cur, one_iter(cur)

    _, lab = lax.while_loop(cond_fn, body_fn, (lab0, one_iter(lab0)))

    r01 = jnp.where(jnp.logical_and(fg, lab == gidx + 1), 1, 0)

    inrow = _cumsum(r01, axis=2)
    ra = inrow[:, :, W - 1]
    rfull = inrow[:, :, PW - 1]
    rb = rfull - ra
    rows_inc_a = _cumsum(ra, axis=1)
    rows_inc_b = _cumsum(rb, axis=1)
    tot_a = rows_inc_a[:, H - 1]
    tot_b = rows_inc_b[:, H - 1]
    pair_tot = tot_a + tot_b
    pairs_inc = _cumsum(pair_tot, axis=0)
    pair_excl = pairs_inc - pair_tot
    add_a = rows_inc_a - ra + pair_excl[:, None]
    add_b = rows_inc_b - rb + pair_excl[:, None] + tot_a[:, None] - ra

    base = base_ref[0]
    rank = base + inrow + jnp.where(col < W, add_a[:, :, None], add_b[:, :, None])
    base_ref[0] = base + pairs_inc[BPAIR - 1]

    lab_ref[...] = jnp.where(fg, lab, 0)
    rank_ref[...] = rank


def _tc_label(fgp):
    np_ = fgp.shape[0]
    grid = np_ // BPAIR
    return pl.pallas_call(
        _label_block_kernel,
        grid=(grid,),
        in_specs=[pl.BlockSpec((BPAIR, H, PW), lambda i: (i, 0, 0))],
        out_specs=[
            pl.BlockSpec((BPAIR, H, PW), lambda i: (i, 0, 0)),
            pl.BlockSpec((BPAIR, H, PW), lambda i: (i, 0, 0)),
        ],
        out_shape=[
            jax.ShapeDtypeStruct((np_, H, PW), jnp.int32),
            jax.ShapeDtypeStruct((np_, H, PW), jnp.int32),
        ],
        scratch_shapes=[pltpu.SMEM((1,), jnp.int32)],
    )(fgp)


def _sc_relabel(lab, rank, n_img):
    npair = lab.shape[0]
    phw = H * PW
    info = plsc.get_sparse_core_info()
    nworkers = info.num_cores * info.num_subcores
    per_w = npair // nworkers
    mesh = plsc.VectorSubcoreMesh(core_axis_name="c", subcore_axis_name="s")

    @functools.partial(
        pl.kernel,
        mesh=mesh,
        compiler_params=pltpu.CompilerParams(needs_layout_passes=False),
        out_type=jax.ShapeDtypeStruct((n_img, HW), jnp.int32),
        scratch_types=[
            pltpu.VMEM((phw,), jnp.int32),
            pltpu.VMEM((phw,), jnp.int32),
            pltpu.VMEM((HW,), jnp.int32),
        ],
    )
    def k(lab_hbm, rank_hbm, out_hbm, lab_v, rank_v, out_v):
        wid = lax.axis_index("s") * info.num_cores + lax.axis_index("c")

        def per_pair(i, _):
            p = wid * per_w + i
            pltpu.sync_copy(lab_hbm.at[p], lab_v)
            pltpu.sync_copy(rank_hbm.at[p], rank_v)

            def per_half(h, _):
                img_base = (2 * p + h) * HW + 1
                hoff = h * W

                def per_vec(q, _):
                    off = (q >> 2) * PW + hoff + (q & 3) * 16
                    l = lab_v[pl.ds(off, 16)]
                    idx = jnp.maximum(l - img_base, 0)
                    idx_p = ((idx >> 6) << 7) + (hoff + (idx & (W - 1)))
                    g = plsc.load_gather(rank_v, [idx_p])
                    out_v[pl.ds(q * 16, 16)] = jnp.where(l > 0, g, 0)
                    return 0

                lax.fori_loop(0, HW // 16, per_vec, 0, unroll=4)
                pltpu.sync_copy(out_v, out_hbm.at[2 * p + h])
                return 0

            lax.fori_loop(0, 2, per_half, 0)
            return 0

        lax.fori_loop(0, per_w, per_pair, 0)

    return k(lab, rank)


def kernel(inputs):
    b, sn, s1, s2 = inputs.shape
    n = b * sn
    fg = inputs.reshape(n // 2, 2, s1, s2).astype(jnp.uint8)
    fgp = fg.transpose(0, 2, 1, 3).reshape(n // 2, H, PW)
    lab, rank = _tc_label(fgp)
    out = _sc_relabel(lab.reshape(n // 2, H * PW), rank.reshape(n // 2, H * PW), n)
    return out.reshape(b, sn, s1, s2)

# --- scband reference (transcript-rebuilt; emitter-appended) ---
"""Pipeline reference for scband-clusterize-24584392802547 (READ-ONLY COPY).

The authoritative reference and input builder live on the scoring server;
editing this copy changes nothing except your own understanding.
"""

import jax, jax.numpy as jnp
import numpy as np


def setup_inputs(seed: int = 0) -> dict:
    key = jax.random.key(seed)
    inputs = jax.random.randint(key, (16, 64, 64, 64), 0, 2) > 0
    return {"inputs": inputs}


def _label_images(fg):
    # fg: bool [N, H, W]. Iterative 4-connected min-label propagation, as in
    # tfa.image.connected_components. Initial labels are global flat indices + 1
    # (unique across the whole batch), background = 0.
    N, H, W = fg.shape
    big = jnp.int32(2 ** 31 - 1)
    idx = jnp.arange(N * H * W, dtype=jnp.int32).reshape(N, H, W) + 1
    lab = jnp.where(fg, idx, 0)

    def step(lab):
        l = jnp.where(fg, lab, big)
        up = jnp.concatenate([jnp.full((N, 1, W), big, l.dtype), l[:, :-1, :]], axis=1)
        down = jnp.concatenate([l[:, 1:, :], jnp.full((N, 1, W), big, l.dtype)], axis=1)
        left = jnp.concatenate([jnp.full((N, H, 1), big, l.dtype), l[:, :, :-1]], axis=2)
        right = jnp.concatenate([l[:, :, 1:], jnp.full((N, H, 1), big, l.dtype)], axis=2)
        m = jnp.minimum(jnp.minimum(l, up), jnp.minimum(jnp.minimum(down, left), right))
        return jnp.where(fg, m, 0)

    def cond_fn(carry):
        prev, cur = carry
        return jnp.any(cur != prev)

    def body_fn(carry):
        prev, cur = carry
        return cur, step(cur)

    _, final = jax.lax.while_loop(cond_fn, body_fn, (lab, step(lab)))
    return final


def _relabel(lab):
    # Remap raw min-index labels to consecutive 1..n across the batch
    # (background stays 0), matching tfa's first-occurrence renumbering:
    # since each component's raw label is its min flat index, sorted-ascending
    # order equals row-major first-occurrence order.
    vals = jnp.unique(lab, size=lab.size, fill_value=jnp.int32(2 ** 31 - 1))
    ranks = jnp.searchsorted(vals, lab.reshape(-1)).reshape(lab.shape).astype(jnp.int32)
    offset = jnp.int32(1) - (vals[0] == 0).astype(jnp.int32)
    return ranks + offset


def reference(inputs):
    b, sn, s1, s2 = inputs.shape
    x = inputs.reshape(-1, s1, s2)
    fg = x.astype(jnp.bool_)
    lab = _label_images(fg)
    lab = _relabel(lab)
    return lab.reshape(b, sn, s1, s2)

if __name__ == "__main__":
    import jax
    _d = setup_inputs()
    print(jax.jit(kernel)(*tuple(_d.values())))

</pallas_src>

<mosaic_0001>
#map = affine_map<(d0, d1) -> (0, 0)>
module attributes {stable_mosaic.version = 14 : i64} {
  func.func @k(%arg0: i32, %arg1: i32, %arg2: memref<512x8192xi32, #tpu.memory_space<hbm>>, %arg3: memref<512x8192xi32, #tpu.memory_space<hbm>>, %arg4: memref<1024x4096xi32, #tpu.memory_space<hbm>>, %arg5: memref<8192xi32, #tpu.memory_space<vmem>>, %arg6: memref<8192xi32, #tpu.memory_space<vmem>>, %arg7: memref<4096xi32, #tpu.memory_space<vmem>>) attributes {dimension_semantics = [#tpu.dimension_semantics<core_parallel>, #tpu.dimension_semantics<subcore_parallel>], iteration_bounds = array<i64: 2, 16>, scalar_prefetch = 0 : i64, scratch_operands = 3 : i64, tpu.core_type = #tpu.core_type<sc_vector_subcore>, window_params = [{transform_indices = #map}, {transform_indices = #map}, {transform_indices = #map}]} {
    %mul3A = arith.constant 2 : i32
    %mul3A_0 = arith.muli %arg1, %mul3A : i32
    %add3A = arith.addi %mul3A_0, %arg0 : i32
    %scan3A = arith.constant 0 : i32
    %scan3A_1 = arith.constant 0 : i32
    %scan3A_2 = arith.constant 16 : i32
    %scan3A_3 = arith.addi %scan3A_1, %scan3A_2 : i32
    %scan3A_4 = arith.constant 1 : i32
    %scan3A_5 = scf.for %scan3A_7 = %scan3A_1 to %scan3A_3 step %scan3A_4 iter_args(%scan3A_8 = %scan3A) -> (i32)  : i32 {
      %mul3A_9 = arith.constant 16 : i32
      %mul3A_10 = arith.muli %add3A, %mul3A_9 : i32
      %add3A_11 = arith.addi %mul3A_10, %scan3A_7 : i32
      "tpu.region"() ({
        %run_scoped3A = tpu.sem_alloc : memref<!tpu.dma_semaphore, #tpu.memory_space<semaphore_mem>>
        %dma_start3A = arith.constant 0 : i32
        %dma_start3A_20 = tpu.memref_slice %arg2[%add3A_11, %dma_start3A] : memref<512x8192xi32, #tpu.memory_space<hbm>> -> memref<1x8192xi32, #tpu.memory_space<hbm>>
        %dma_start3A_21 = tpu.memref_squeeze %dma_start3A_20 : memref<1x8192xi32, #tpu.memory_space<hbm>> -> memref<8192xi32, #tpu.memory_space<hbm>>
        %dma_start3A_22 = arith.constant 0 : i32
        %dma_start3A_23 = tpu.memref_slice %arg2[%add3A_11, %dma_start3A_22] : memref<512x8192xi32, #tpu.memory_space<hbm>> -> memref<1x8192xi32, #tpu.memory_space<hbm>>
        %dma_start3A_24 = tpu.memref_squeeze %dma_start3A_23 : memref<1x8192xi32, #tpu.memory_space<hbm>> -> memref<8192xi32, #tpu.memory_space<hbm>>
        tpu.enqueue_dma source(%dma_start3A_24 : memref<8192xi32, #tpu.memory_space<hbm>>) target(%arg5 : memref<8192xi32, #tpu.memory_space<vmem>>) target_semaphore(%run_scoped3A : memref<!tpu.dma_semaphore, #tpu.memory_space<semaphore_mem>>)
        %dma_wait3A = arith.constant 0 : i32
        %dma_wait3A_25 = tpu.memref_slice %arg2[%add3A_11, %dma_wait3A] : memref<512x8192xi32, #tpu.memory_space<hbm>> -> memref<1x8192xi32, #tpu.memory_space<hbm>>
        %dma_wait3A_26 = tpu.memref_squeeze %dma_wait3A_25 : memref<1x8192xi32, #tpu.memory_space<hbm>> -> memref<8192xi32, #tpu.memory_space<hbm>>
        %dma_wait3A_27 = arith.constant 0 : i32
        %dma_wait3A_28 = tpu.memref_slice %arg2[%add3A_11, %dma_wait3A_27] : memref<512x8192xi32, #tpu.memory_space<hbm>> -> memref<1x8192xi32, #tpu.memory_space<hbm>>
        %dma_wait3A_29 = tpu.memref_squeeze %dma_wait3A_28 : memref<1x8192xi32, #tpu.memory_space<hbm>> -> memref<8192xi32, #tpu.memory_space<hbm>>
        tpu.wait_dma2 semaphore(%run_scoped3A : memref<!tpu.dma_semaphore, #tpu.memory_space<semaphore_mem>>) src(%dma_wait3A_29 : memref<8192xi32, #tpu.memory_space<hbm>>) dst(%arg5 : memref<8192xi32, #tpu.memory_space<vmem>>)
        tpu.yield
      }) : () -> ()
      "tpu.region"() ({
        %run_scoped3A = tpu.sem_alloc : memref<!tpu.dma_semaphore, #tpu.memory_space<semaphore_mem>>
        %dma_start3A = arith.constant 0 : i32
        %dma_start3A_20 = tpu.memref_slice %arg3[%add3A_11, %dma_start3A] : memref<512x8192xi32, #tpu.memory_space<hbm>> -> memref<1x8192xi32, #tpu.memory_space<hbm>>
        %dma_start3A_21 = tpu.memref_squeeze %dma_start3A_20 : memref<1x8192xi32, #tpu.memory_space<hbm>> -> memref<8192xi32, #tpu.memory_space<hbm>>
        %dma_start3A_22 = arith.constant 0 : i32
        %dma_start3A_23 = tpu.memref_slice %arg3[%add3A_11, %dma_start3A_22] : memref<512x8192xi32, #tpu.memory_space<hbm>> -> memref<1x8192xi32, #tpu.memory_space<hbm>>
        %dma_start3A_24 = tpu.memref_squeeze %dma_start3A_23 : memref<1x8192xi32, #tpu.memory_space<hbm>> -> memref<8192xi32, #tpu.memory_space<hbm>>
        tpu.enqueue_dma source(%dma_start3A_24 : memref<8192xi32, #tpu.memory_space<hbm>>) target(%arg6 : memref<8192xi32, #tpu.memory_space<vmem>>) target_semaphore(%run_scoped3A : memref<!tpu.dma_semaphore, #tpu.memory_space<semaphore_mem>>)
        %dma_wait3A = arith.constant 0 : i32
        %dma_wait3A_25 = tpu.memref_slice %arg3[%add3A_11, %dma_wait3A] : memref<512x8192xi32, #tpu.memory_space<hbm>> -> memref<1x8192xi32, #tpu.memory_space<hbm>>
        %dma_wait3A_26 = tpu.memref_squeeze %dma_wait3A_25 : memref<1x8192xi32, #tpu.memory_space<hbm>> -> memref<8192xi32, #tpu.memory_space<hbm>>
        %dma_wait3A_27 = arith.constant 0 : i32
        %dma_wait3A_28 = tpu.memref_slice %arg3[%add3A_11, %dma_wait3A_27] : memref<512x8192xi32, #tpu.memory_space<hbm>> -> memref<1x8192xi32, #tpu.memory_space<hbm>>
        %dma_wait3A_29 = tpu.memref_squeeze %dma_wait3A_28 : memref<1x8192xi32, #tpu.memory_space<hbm>> -> memref<8192xi32, #tpu.memory_space<hbm>>
        tpu.wait_dma2 semaphore(%run_scoped3A : memref<!tpu.dma_semaphore, #tpu.memory_space<semaphore_mem>>) src(%dma_wait3A_29 : memref<8192xi32, #tpu.memory_space<hbm>>) dst(%arg6 : memref<8192xi32, #tpu.memory_space<vmem>>)
        tpu.yield
      }) : () -> ()
      %scan3A_12 = arith.constant 0 : i32
      %scan3A_13 = arith.constant 0 : i32
      %scan3A_14 = arith.constant 2 : i32
      %scan3A_15 = arith.addi %scan3A_13, %scan3A_14 : i32
      %scan3A_16 = arith.constant 1 : i32
      %scan3A_17 = scf.for %scan3A_20 = %scan3A_13 to %scan3A_15 step %scan3A_16 iter_args(%scan3A_21 = %scan3A_12) -> (i32)  : i32 {
        %mul3A_22 = arith.constant 2 : i32
        %mul3A_23 = arith.muli %mul3A_22, %add3A_11 : i32
        %add3A_24 = arith.addi %mul3A_23, %scan3A_20 : i32
        %mul3A_25 = arith.constant 4096 : i32
        %mul3A_26 = arith.muli %add3A_24, %mul3A_25 : i32
        %add3A_27 = arith.constant 1 : i32
        %add3A_28 = arith.addi %mul3A_26, %add3A_27 : i32
        %mul3A_29 = arith.constant 64 : i32
        %mul3A_30 = arith.muli %scan3A_20, %mul3A_29 : i32
        %scan3A_31 = arith.constant 0 : i32
        %scan3A_32 = arith.constant 0 : i32
        %scan3A_33 = arith.constant 256 : i32
        %scan3A_34 = arith.addi %scan3A_32, %scan3A_33 : i32
        %scan3A_35 = arith.constant 4 : i32
        %scan3A_36 = scf.for %scan3A_42 = %scan3A_32 to %scan3A_34 step %scan3A_35 iter_args(%scan3A_43 = %scan3A_31) -> (i32)  : i32 {
          %shift_right_arithmetic3A = arith.constant 2 : i32
          %shift_right_arithmetic3A_44 = arith.shrsi %scan3A_42, %shift_right_arithmetic3A : i32
          %mul3A_45 = arith.constant 128 : i32
          %mul3A_46 = arith.muli %shift_right_arithmetic3A_44, %mul3A_45 : i32
          %add3A_47 = arith.addi %mul3A_46, %mul3A_30 : i32
          %and3A = arith.constant 3 : i32
          %and3A_48 = arith.andi %scan3A_42, %and3A : i32
          %mul3A_49 = arith.constant 16 : i32
          %mul3A_50 = arith.muli %and3A_48, %mul3A_49 : i32
          %add3A_51 = arith.addi %add3A_47, %mul3A_50 : i32
          %get3A = arith.index_cast %add3A_51 : i32 to index
          %get3A_52 = tpu.vector_load %arg5[%get3A] {strides = array<i32>} : memref<8192xi32, #tpu.memory_space<vmem>>, vector<16xi32>,
          %sub3A = vector.broadcast %add3A_28 : i32 to vector<16xi32>
          %sub3A_53 = arith.subi %get3A_52, %sub3A : vector<16xi32>
          %max3A = arith.constant 0 : i32
          %max3A_54 = vector.broadcast %max3A : i32 to vector<16xi32>
          %max3A_55 = arith.maxsi %sub3A_53, %max3A_54 : vector<16xi32>
          %shift_right_arithmetic3A_56 = arith.constant 6 : i32
          %shift_right_arithmetic3A_57 = vector.broadcast %shift_right_arithmetic3A_56 : i32 to vector<16xi32>
          %shift_right_arithmetic3A_58 = arith.shrsi %max3A_55, %shift_right_arithmetic3A_57 : vector<16xi32>
          %shift_left3A = arith.constant 7 : i32
          %shift_left3A_59 = vector.broadcast %shift_left3A : i32 to vector<16xi32>
          %shift_left3A_60 = arith.shli %shift_right_arithmetic3A_58, %shift_left3A_59 : vector<16xi32>
          %and3A_61 = arith.constant 63 : i32
          %and3A_62 = vector.broadcast %and3A_61 : i32 to vector<16xi32>
          %and3A_63 = arith.andi %max3A_55, %and3A_62 : vector<16xi32>
          %add3A_64 = vector.broadcast %mul3A_30 : i32 to vector<16xi32>
          %add3A_65 = arith.addi %add3A_64, %and3A_63 : vector<16xi32>
          %add3A_66 = arith.addi %shift_left3A_60, %add3A_65 : vector<16xi32>
          %gather3A = tpu.vector_load_idx %arg6[%add3A_66] : memref<8192xi32, #tpu.memory_space<vmem>>[vector<16xi32>], vector<16xi32>,
          %gt3A = arith.constant 0 : i32
          %gt3A_67 = vector.broadcast %gt3A : i32 to vector<16xi32>
          %gt3A_68 = arith.cmpi sgt, %get3A_52, %gt3A_67 : vector<16xi32>
          %jit3A = arith.constant 0 : i32
          %broadcast_in_dim3A = vector.broadcast %jit3A : i32 to vector<16xi32>
          %select_n3A = arith.select %gt3A_68, %gather3A, %broadcast_in_dim3A : vector<16xi1>, vector<16xi32>
          %mul3A_69 = arith.constant 16 : i32
          %mul3A_70 = arith.muli %scan3A_42, %mul3A_69 : i32
          %swap3A = arith.index_cast %mul3A_70 : i32 to index
          %swap3A_71 = tpu.vector_load %arg7[%swap3A] {strides = array<i32>} : memref<4096xi32, #tpu.memory_space<vmem>>, vector<16xi32>,
          tpu.vector_store %arg7[%swap3A], %select_n3A {strides = array<i32>} : memref<4096xi32, #tpu.memory_space<vmem>>, vector<16xi32>,
          %scan3A_72 = arith.constant 0 : i32
          %scan3A_73 = arith.constant 1 : i32
          %scan3A_74 = arith.addi %scan3A_42, %scan3A_73 : i32
          %shift_right_arithmetic3A_75 = arith.constant 2 : i32
          %shift_right_arithmetic3A_76 = arith.shrsi %scan3A_74, %shift_right_arithmetic3A_75 : i32
          %mul3A_77 = arith.constant 128 : i32
          %mul3A_78 = arith.muli %shift_right_arithmetic3A_76, %mul3A_77 : i32
          %add3A_79 = arith.addi %mul3A_78, %mul3A_30 : i32
          %and3A_80 = arith.constant 3 : i32
          %and3A_81 = arith.andi %scan3A_74, %and3A_80 : i32
          %mul3A_82 = arith.constant 16 : i32
          %mul3A_83 = arith.muli %and3A_81, %mul3A_82 : i32
          %add3A_84 = arith.addi %add3A_79, %mul3A_83 : i32
          %get3A_85 = arith.index_cast %add3A_84 : i32 to index
          %get3A_86 = tpu.vector_load %arg5[%get3A_85] {strides = array<i32>} : memref<8192xi32, #tpu.memory_space<vmem>>, vector<16xi32>,
          %sub3A_87 = vector.broadcast %add3A_28 : i32 to vector<16xi32>
          %sub3A_88 = arith.subi %get3A_86, %sub3A_87 : vector<16xi32>
          %max3A_89 = arith.constant 0 : i32
          %max3A_90 = vector.broadcast %max3A_89 : i32 to vector<16xi32>
          %max3A_91 = arith.maxsi %sub3A_88, %max3A_90 : vector<16xi32>
          %shift_right_arithmetic3A_92 = arith.constant 6 : i32
          %shift_right_arithmetic3A_93 = vector.broadcast %shift_right_arithmetic3A_92 : i32 to vector<16xi32>
          %shift_right_arithmetic3A_94 = arith.shrsi %max3A_91, %shift_right_arithmetic3A_93 : vector<16xi32>
          %shift_left3A_95 = arith.constant 7 : i32
          %shift_left3A_96 = vector.broadcast %shift_left3A_95 : i32 to vector<16xi32>
          %shift_left3A_97 = arith.shli %shift_right_arithmetic3A_94, %shift_left3A_96 : vector<16xi32>
          %and3A_98 = arith.constant 63 : i32
          %and3A_99 = vector.broadcast %and3A_98 : i32 to vector<16xi32>
          %and3A_100 = arith.andi %max3A_91, %and3A_99 : vector<16xi32>
          %add3A_101 = vector.broadcast %mul3A_30 : i32 to vector<16xi32>
          %add3A_102 = arith.addi %add3A_101, %and3A_100 : vector<16xi32>
          %add3A_103 = arith.addi %shift_left3A_97, %add3A_102 : vector<16xi32>
          %gather3A_104 = tpu.vector_load_idx %arg6[%add3A_103] : memref<8192xi32, #tpu.memory_space<vmem>>[vector<16xi32>], vector<16xi32>,
          %gt3A_105 = arith.constant 0 : i32
          %gt3A_106 = vector.broadcast %gt3A_105 : i32 to vector<16xi32>
          %gt3A_107 = arith.cmpi sgt, %get3A_86, %gt3A_106 : vector<16xi32>
          %jit3A_108 = arith.constant 0 : i32
          %broadcast_in_dim3A_109 = vector.broadcast %jit3A_108 : i32 to vector<16xi32>
          %select_n3A_110 = arith.select %gt3A_107, %gather3A_104, %broadcast_in_dim3A_109 : vector<16xi1>, vector<16xi32>
          %mul3A_111 = arith.constant 16 : i32
          %mul3A_112 = arith.muli %scan3A_74, %mul3A_111 : i32
          %swap3A_113 = arith.index_cast %mul3A_112 : i32 to index
          %swap3A_114 = tpu.vector_load %arg7[%swap3A_113] {strides = array<i32>} : memref<4096xi32, #tpu.memory_space<vmem>>, vector<16xi32>,
          tpu.vector_store %arg7[%swap3A_113], %select_n3A_110 {strides = array<i32>} : memref<4096xi32, #tpu.memory_space<vmem>>, vector<16xi32>,
          %scan3A_115 = arith.constant 0 : i32
          %scan3A_116 = arith.constant 2 : i32
          %scan3A_117 = arith.addi %scan3A_42, %scan3A_116 : i32
          %shift_right_arithmetic3A_118 = arith.constant 2 : i32
          %shift_right_arithmetic3A_119 = arith.shrsi %scan3A_117, %shift_right_arithmetic3A_118 : i32
          %mul3A_120 = arith.constant 128 : i32
          %mul3A_121 = arith.muli %shift_right_arithmetic3A_119, %mul3A_120 : i32
          %add3A_122 = arith.addi %mul3A_121, %mul3A_30 : i32
          %and3A_123 = arith.constant 3 : i32
          %and3A_124 = arith.andi %scan3A_117, %and3A_123 : i32
          %mul3A_125 = arith.constant 16 : i32
          %mul3A_126 = arith.muli %and3A_124, %mul3A_125 : i32
          %add3A_127 = arith.addi %add3A_122, %mul3A_126 : i32
          %get3A_128 = arith.index_cast %add3A_127 : i32 to index
          %get3A_129 = tpu.vector_load %arg5[%get3A_128] {strides = array<i32>} : memref<8192xi32, #tpu.memory_space<vmem>>, vector<16xi32>,
          %sub3A_130 = vector.broadcast %add3A_28 : i32 to vector<16xi32>
          %sub3A_131 = arith.subi %get3A_129, %sub3A_130 : vector<16xi32>
          %max3A_132 = arith.constant 0 : i32
          %max3A_133 = vector.broadcast %max3A_132 : i32 to vector<16xi32>
          %max3A_134 = arith.maxsi %sub3A_131, %max3A_133 : vector<16xi32>
          %shift_right_arithmetic3A_135 = arith.constant 6 : i32
          %shift_right_arithmetic3A_136 = vector.broadcast %shift_right_arithmetic3A_135 : i32 to vector<16xi32>
          %shift_right_arithmetic3A_137 = arith.shrsi %max3A_134, %shift_right_arithmetic3A_136 : vector<16xi32>
          %shift_left3A_138 = arith.constant 7 : i32
          %shift_left3A_139 = vector.broadcast %shift_left3A_138 : i32 to vector<16xi32>
          %shift_left3A_140 = arith.shli %shift_right_arithmetic3A_137, %shift_left3A_139 : vector<16xi32>
          %and3A_141 = arith.constant 63 : i32
          %and3A_142 = vector.broadcast %and3A_141 : i32 to vector<16xi32>
          %and3A_143 = arith.andi %max3A_134, %and3A_142 : vector<16xi32>
          %add3A_144 = vector.broadcast %mul3A_30 : i32 to vector<16xi32>
          %add3A_145 = arith.addi %add3A_144, %and3A_143 : vector<16xi32>
          %add3A_146 = arith.addi %shift_left3A_140, %add3A_145 : vector<16xi32>
          %gather3A_147 = tpu.vector_load_idx %arg6[%add3A_146] : memref<8192xi32, #tpu.memory_space<vmem>>[vector<16xi32>], vector<16xi32>,
          %gt3A_148 = arith.constant 0 : i32
          %gt3A_149 = vector.broadcast %gt3A_148 : i32 to vector<16xi32>
          %gt3A_150 = arith.cmpi sgt, %get3A_129, %gt3A_149 : vector<16xi32>
          %jit3A_151 = arith.constant 0 : i32
          %broadcast_in_dim3A_152 = vector.broadcast %jit3A_151 : i32 to vector<16xi32>
          %select_n3A_153 = arith.select %gt3A_150, %gather3A_147, %broadcast_in_dim3A_152 : vector<16xi1>, vector<16xi32>
          %mul3A_154 = arith.constant 16 : i32
          %mul3A_155 = arith.muli %scan3A_117, %mul3A_154 : i32
          %swap3A_156 = arith.index_cast %mul3A_155 : i32 to index
          %swap3A_157 = tpu.vector_load %arg7[%swap3A_156] {strides = array<i32>} : memref<4096xi32, #tpu.memory_space<vmem>>, vector<16xi32>,
          tpu.vector_store %arg7[%swap3A_156], %select_n3A_153 {strides = array<i32>} : memref<4096xi32, #tpu.memory_space<vmem>>, vector<16xi32>,
          %scan3A_158 = arith.constant 0 : i32
          %scan3A_159 = arith.constant 3 : i32
          %scan3A_160 = arith.addi %scan3A_42, %scan3A_159 : i32
          %shift_right_arithmetic3A_161 = arith.constant 2 : i32
          %shift_right_arithmetic3A_162 = arith.shrsi %scan3A_160, %shift_right_arithmetic3A_161 : i32
          %mul3A_163 = arith.constant 128 : i32
          %mul3A_164 = arith.muli %shift_right_arithmetic3A_162, %mul3A_163 : i32
          %add3A_165 = arith.addi %mul3A_164, %mul3A_30 : i32
          %and3A_166 = arith.constant 3 : i32
          %and3A_167 = arith.andi %scan3A_160, %and3A_166 : i32
          %mul3A_168 = arith.constant 16 : i32
          %mul3A_169 = arith.muli %and3A_167, %mul3A_168 : i32
          %add3A_170 = arith.addi %add3A_165, %mul3A_169 : i32
          %get3A_171 = arith.index_cast %add3A_170 : i32 to index
          %get3A_172 = tpu.vector_load %arg5[%get3A_171] {strides = array<i32>} : memref<8192xi32, #tpu.memory_space<vmem>>, vector<16xi32>,
          %sub3A_173 = vector.broadcast %add3A_28 : i32 to vector<16xi32>
          %sub3A_174 = arith.subi %get3A_172, %sub3A_173 : vector<16xi32>
          %max3A_175 = arith.constant 0 : i32
          %max3A_176 = vector.broadcast %max3A_175 : i32 to vector<16xi32>
          %max3A_177 = arith.maxsi %sub3A_174, %max3A_176 : vector<16xi32>
          %shift_right_arithmetic3A_178 = arith.constant 6 : i32
          %shift_right_arithmetic3A_179 = vector.broadcast %shift_right_arithmetic3A_178 : i32 to vector<16xi32>
          %shift_right_arithmetic3A_180 = arith.shrsi %max3A_177, %shift_right_arithmetic3A_179 : vector<16xi32>
          %shift_left3A_181 = arith.constant 7 : i32
          %shift_left3A_182 = vector.broadcast %shift_left3A_181 : i32 to vector<16xi32>
          %shift_left3A_183 = arith.shli %shift_right_arithmetic3A_180, %shift_left3A_182 : vector<16xi32>
          %and3A_184 = arith.constant 63 : i32
          %and3A_185 = vector.broadcast %and3A_184 : i32 to vector<16xi32>
          %and3A_186 = arith.andi %max3A_177, %and3A_185 : vector<16xi32>
          %add3A_187 = vector.broadcast %mul3A_30 : i32 to vector<16xi32>
          %add3A_188 = arith.addi %add3A_187, %and3A_186 : vector<16xi32>
          %add3A_189 = arith.addi %shift_left3A_183, %add3A_188 : vector<16xi32>
          %gather3A_190 = tpu.vector_load_idx %arg6[%add3A_189] : memref<8192xi32, #tpu.memory_space<vmem>>[vector<16xi32>], vector<16xi32>,
          %gt3A_191 = arith.constant 0 : i32
          %gt3A_192 = vector.broadcast %gt3A_191 : i32 to vector<16xi32>
          %gt3A_193 = arith.cmpi sgt, %get3A_172, %gt3A_192 : vector<16xi32>
          %jit3A_194 = arith.constant 0 : i32
          %broadcast_in_dim3A_195 = vector.broadcast %jit3A_194 : i32 to vector<16xi32>
          %select_n3A_196 = arith.select %gt3A_193, %gather3A_190, %broadcast_in_dim3A_195 : vector<16xi1>, vector<16xi32>
          %mul3A_197 = arith.constant 16 : i32
          %mul3A_198 = arith.muli %scan3A_160, %mul3A_197 : i32
          %swap3A_199 = arith.index_cast %mul3A_198 : i32 to index
          %swap3A_200 = tpu.vector_load %arg7[%swap3A_199] {strides = array<i32>} : memref<4096xi32, #tpu.memory_space<vmem>>, vector<16xi32>,
          tpu.vector_store %arg7[%swap3A_199], %select_n3A_196 {strides = array<i32>} : memref<4096xi32, #tpu.memory_space<vmem>>, vector<16xi32>,
          %scan3A_201 = arith.constant 0 : i32
          scf.yield %scan3A_201 : i32
        }
        %scan3A_37 = arith.constant 256 : i32
        %mul3A_38 = arith.constant 2 : i32
        %mul3A_39 = arith.muli %mul3A_38, %add3A_11 : i32
        %add3A_40 = arith.addi %mul3A_39, %scan3A_20 : i32
        "tpu.region"() ({
          %run_scoped3A = tpu.sem_alloc : memref<!tpu.dma_semaphore, #tpu.memory_space<semaphore_mem>>
          %dma_start3A = arith.constant 0 : i32
          %dma_start3A_42 = tpu.memref_slice %arg4[%add3A_40, %dma_start3A] : memref<1024x4096xi32, #tpu.memory_space<hbm>> -> memref<1x4096xi32, #tpu.memory_space<hbm>>
          %dma_start3A_43 = tpu.memref_squeeze %dma_start3A_42 : memref<1x4096xi32, #tpu.memory_space<hbm>> -> memref<4096xi32, #tpu.memory_space<hbm>>
          %dma_start3A_44 = arith.constant 0 : i32
          %dma_start3A_45 = tpu.memref_slice %arg4[%add3A_40, %dma_start3A_44] : memref<1024x4096xi32, #tpu.memory_space<hbm>> -> memref<1x4096xi32, #tpu.memory_space<hbm>>
          %dma_start3A_46 = tpu.memref_squeeze %dma_start3A_45 : memref<1x4096xi32, #tpu.memory_space<hbm>> -> memref<4096xi32, #tpu.memory_space<hbm>>
          tpu.enqueue_dma source(%arg7 : memref<4096xi32, #tpu.memory_space<vmem>>) target(%dma_start3A_46 : memref<4096xi32, #tpu.memory_space<hbm>>) target_semaphore(%run_scoped3A : memref<!tpu.dma_semaphore, #tpu.memory_space<semaphore_mem>>)
          %dma_wait3A = arith.constant 0 : i32
          %dma_wait3A_47 = tpu.memref_slice %arg4[%add3A_40, %dma_wait3A] : memref<1024x4096xi32, #tpu.memory_space<hbm>> -> memref<1x4096xi32, #tpu.memory_space<hbm>>
          %dma_wait3A_48 = tpu.memref_squeeze %dma_wait3A_47 : memref<1x4096xi32, #tpu.memory_space<hbm>> -> memref<4096xi32, #tpu.memory_space<hbm>>
          %dma_wait3A_49 = arith.constant 0 : i32
          %dma_wait3A_50 = tpu.memref_slice %arg4[%add3A_40, %dma_wait3A_49] : memref<1024x4096xi32, #tpu.memory_space<hbm>> -> memref<1x4096xi32, #tpu.memory_space<hbm>>
          %dma_wait3A_51 = tpu.memref_squeeze %dma_wait3A_50 : memref<1x4096xi32, #tpu.memory_space<hbm>> -> memref<4096xi32, #tpu.memory_space<hbm>>
          tpu.wait_dma2 semaphore(%run_scoped3A : memref<!tpu.dma_semaphore, #tpu.memory_space<semaphore_mem>>) src(%arg7 : memref<4096xi32, #tpu.memory_space<vmem>>) dst(%dma_wait3A_51 : memref<4096xi32, #tpu.memory_space<hbm>>)
          tpu.yield
        }) : () -> ()
        %scan3A_41 = arith.constant 0 : i32
        scf.yield %scan3A_41 : i32
      }
      %scan3A_18 = arith.constant 2 : i32
      %scan3A_19 = arith.constant 0 : i32
      scf.yield %scan3A_19 : i32
    }
    %scan3A_6 = arith.constant 16 : i32
    return
  }
}

module attributes {stable_mosaic.version = 14 : i64} {
  func.func @_label_block_kernel(%arg0: i32, %arg1: memref<4x64x128xi8, #tpu.memory_space<vmem>>, %arg2: memref<4x64x128xi32, #tpu.memory_space<vmem>>, %arg3: memref<4x64x128xi32, #tpu.memory_space<vmem>>, %arg4: memref<1xi32, #tpu.memory_space<smem>>) attributes {dimension_semantics = [#tpu.dimension_semantics<arbitrary>], iteration_bounds = array<i64: 128>, scalar_prefetch = 0 : i64, scratch_operands = 1 : i64, tpu.core_type = #tpu.core_type<tc>, window_params = [{transform_indices = @transform_0, window_bounds = array<i64: 4, 64, 128>}, {transform_indices = @transform_1, window_bounds = array<i64: 4, 64, 128>}, {transform_indices = @transform_2, window_bounds = array<i64: 4, 64, 128>}]} {
    %eq3A = arith.constant 0 : i32
    %eq3A_0 = arith.cmpi eq, %arg0, %eq3A : i32
    %convert_element_type3A = arith.extui %eq3A_0 : i1 to i32
    %cond3A = arith.constant 0 : i32
    %cond3A_1 = arith.cmpi ne, %convert_element_type3A, %cond3A : i32
    scf.if %cond3A_1 {
      %swap3A_400 = arith.constant 0 : i32
      %swap3A_401 = arith.constant 0 : index
      %swap3A_402 = memref.load %arg4[%swap3A_401] : memref<1xi32, #tpu.memory_space<smem>>
      memref.store %swap3A_400, %arg4[%swap3A_401] : memref<1xi32, #tpu.memory_space<smem>>
    } else {
    }
    %get3A = arith.constant 0 : index
    %get3A_2 = arith.constant 0 : index
    %get3A_3 = arith.constant 0 : index
    %get3A_4 = vector.load %arg1[%get3A, %get3A_2, %get3A_3] : memref<4x64x128xi8, #tpu.memory_space<vmem>>, vector<4x64x128xi8>
    %convert_element_type3A_5 = arith.extui %get3A_4 : vector<4x64x128xi8> to vector<4x64x128xi32>
    %ne3A = arith.constant 0 : i32
    %ne3A_6 = vector.broadcast %ne3A : i32 to vector<4x64x128xi32>
    %ne3A_7 = arith.cmpi ne, %convert_element_type3A_5, %ne3A_6 : vector<4x64x128xi32>
    %sub3A = arith.constant 1 : i32
    %sub3A_8 = vector.broadcast %sub3A : i32 to vector<4x64x128xi32>
    %sub3A_9 = arith.subi %sub3A_8, %convert_element_type3A_5 : vector<4x64x128xi32>
    %mul3A = arith.constant 2147483647 : i32
    %mul3A_10 = vector.broadcast %mul3A : i32 to vector<4x64x128xi32>
    %mul3A_11 = arith.muli %sub3A_9, %mul3A_10 : vector<4x64x128xi32>
    %iota3A = tpu.iota {dimensions = array<i32: 0>} : vector<4x64x128xi32>
    %iota3A_12 = tpu.iota {dimensions = array<i32: 1>} : vector<4x64x128xi32>
    %iota3A_13 = tpu.iota {dimensions = array<i32: 2>} : vector<4x64x128xi32>
    %ge3A = arith.constant 64 : i32
    %ge3A_14 = vector.broadcast %ge3A : i32 to vector<4x64x128xi32>
    %ge3A_15 = arith.cmpi sge, %iota3A_13, %ge3A_14 : vector<4x64x128xi32>
    %convert_element_type3A_16 = arith.extui %ge3A_15 : vector<4x64x128xi1> to vector<4x64x128xi32>
    %mul3A_17 = arith.constant 4 : i32
    %mul3A_18 = arith.muli %arg0, %mul3A_17 : i32
    %add3A = vector.broadcast %mul3A_18 : i32 to vector<4x64x128xi32>
    %add3A_19 = arith.addi %add3A, %iota3A : vector<4x64x128xi32>
    %mul3A_20 = arith.constant 2 : i32
    %mul3A_21 = vector.broadcast %mul3A_20 : i32 to vector<4x64x128xi32>
    %mul3A_22 = arith.muli %add3A_19, %mul3A_21 : vector<4x64x128xi32>
    %add3A_23 = arith.addi %mul3A_22, %convert_element_type3A_16 : vector<4x64x128xi32>
    %mul3A_24 = arith.constant 4096 : i32
    %mul3A_25 = vector.broadcast %mul3A_24 : i32 to vector<4x64x128xi32>
    %mul3A_26 = arith.muli %add3A_23, %mul3A_25 : vector<4x64x128xi32>
    %mul3A_27 = arith.constant 64 : i32
    %mul3A_28 = vector.broadcast %mul3A_27 : i32 to vector<4x64x128xi32>
    %mul3A_29 = arith.muli %iota3A_12, %mul3A_28 : vector<4x64x128xi32>
    %add3A_30 = arith.addi %mul3A_26, %mul3A_29 : vector<4x64x128xi32>
    %and3A = arith.constant 63 : i32
    %and3A_31 = vector.broadcast %and3A : i32 to vector<4x64x128xi32>
    %and3A_32 = arith.andi %iota3A_13, %and3A_31 : vector<4x64x128xi32>
    %add3A_33 = arith.addi %add3A_30, %and3A_32 : vector<4x64x128xi32>
    %add3A_34 = arith.constant 1 : i32
    %add3A_35 = vector.broadcast %add3A_34 : i32 to vector<4x64x128xi32>
    %add3A_36 = arith.addi %add3A_33, %add3A_35 : vector<4x64x128xi32>
    %jit3A = arith.constant 2147483647 : i32
    %broadcast_in_dim3A = vector.broadcast %jit3A : i32 to vector<4x64x128xi32>
    %select_n3A = arith.select %ne3A_7, %add3A_36, %broadcast_in_dim3A : vector<4x64x128xi1>, vector<4x64x128xi32>
    %eq3A_37 = arith.constant 64 : i32
    %eq3A_38 = vector.broadcast %eq3A_37 : i32 to vector<4x64x128xi32>
    %eq3A_39 = arith.cmpi eq, %iota3A_13, %eq3A_38 : vector<4x64x128xi32>
    %eq3A_40 = arith.constant 0 : i32
    %eq3A_41 = vector.broadcast %eq3A_40 : i32 to vector<4x64x128xi32>
    %eq3A_42 = arith.cmpi eq, %iota3A_13, %eq3A_41 : vector<4x64x128xi32>
    %or3A = arith.ori %eq3A_39, %eq3A_42 : vector<4x64x128xi1>
    %jit3A_43 = arith.constant 2147483647 : i32
    %jit3A_44 = arith.constant 0 : i32
    %broadcast_in_dim3A_45 = vector.broadcast %jit3A_43 : i32 to vector<4x64x128xi32>
    %broadcast_in_dim3A_46 = vector.broadcast %jit3A_44 : i32 to vector<4x64x128xi32>
    %select_n3A_47 = arith.select %or3A, %broadcast_in_dim3A_45, %broadcast_in_dim3A_46 : vector<4x64x128xi1>, vector<4x64x128xi32>
    %or3A_48 = arith.ori %mul3A_11, %select_n3A_47 : vector<4x64x128xi32>
    %eq3A_49 = arith.constant 63 : i32
    %eq3A_50 = vector.broadcast %eq3A_49 : i32 to vector<4x64x128xi32>
    %eq3A_51 = arith.cmpi eq, %iota3A_13, %eq3A_50 : vector<4x64x128xi32>
    %eq3A_52 = arith.constant 127 : i32
    %eq3A_53 = vector.broadcast %eq3A_52 : i32 to vector<4x64x128xi32>
    %eq3A_54 = arith.cmpi eq, %iota3A_13, %eq3A_53 : vector<4x64x128xi32>
    %or3A_55 = arith.ori %eq3A_51, %eq3A_54 : vector<4x64x128xi1>
    %jit3A_56 = arith.constant 2147483647 : i32
    %jit3A_57 = arith.constant 0 : i32
    %broadcast_in_dim3A_58 = vector.broadcast %jit3A_56 : i32 to vector<4x64x128xi32>
    %broadcast_in_dim3A_59 = vector.broadcast %jit3A_57 : i32 to vector<4x64x128xi32>
    %select_n3A_60 = arith.select %or3A_55, %broadcast_in_dim3A_58, %broadcast_in_dim3A_59 : vector<4x64x128xi1>, vector<4x64x128xi32>
    %or3A_61 = arith.ori %mul3A_11, %select_n3A_60 : vector<4x64x128xi32>
    %eq3A_62 = arith.constant 0 : i32
    %eq3A_63 = vector.broadcast %eq3A_62 : i32 to vector<4x64x128xi32>
    %eq3A_64 = arith.cmpi eq, %iota3A_12, %eq3A_63 : vector<4x64x128xi32>
    %jit3A_65 = arith.constant 2147483647 : i32
    %jit3A_66 = arith.constant 0 : i32
    %broadcast_in_dim3A_67 = vector.broadcast %jit3A_65 : i32 to vector<4x64x128xi32>
    %broadcast_in_dim3A_68 = vector.broadcast %jit3A_66 : i32 to vector<4x64x128xi32>
    %select_n3A_69 = arith.select %eq3A_64, %broadcast_in_dim3A_67, %broadcast_in_dim3A_68 : vector<4x64x128xi1>, vector<4x64x128xi32>
    %or3A_70 = arith.ori %mul3A_11, %select_n3A_69 : vector<4x64x128xi32>
    %eq3A_71 = arith.constant 63 : i32
    %eq3A_72 = vector.broadcast %eq3A_71 : i32 to vector<4x64x128xi32>
    %eq3A_73 = arith.cmpi eq, %iota3A_12, %eq3A_72 : vector<4x64x128xi32>
    %jit3A_74 = arith.constant 2147483647 : i32
    %jit3A_75 = arith.constant 0 : i32
    %broadcast_in_dim3A_76 = vector.broadcast %jit3A_74 : i32 to vector<4x64x128xi32>
    %broadcast_in_dim3A_77 = vector.broadcast %jit3A_75 : i32 to vector<4x64x128xi32>
    %select_n3A_78 = arith.select %eq3A_73, %broadcast_in_dim3A_76, %broadcast_in_dim3A_77 : vector<4x64x128xi1>, vector<4x64x128xi32>
    %or3A_79 = arith.ori %mul3A_11, %select_n3A_78 : vector<4x64x128xi32>
    %roll3A = arith.constant 1 : i32
    %roll3A_80 = tpu.dynamic_rotate %or3A_48 by %roll3A dim 2 : vector<4x64x128xi32>, i32 -> vector<4x64x128xi32>
    %or3A_81 = arith.ori %or3A_48, %roll3A_80 : vector<4x64x128xi32>
    %roll3A_82 = arith.constant 2 : i32
    %roll3A_83 = tpu.dynamic_rotate %or3A_81 by %roll3A_82 dim 2 : vector<4x64x128xi32>, i32 -> vector<4x64x128xi32>
    %or3A_84 = arith.ori %or3A_81, %roll3A_83 : vector<4x64x128xi32>
    %roll3A_85 = arith.constant 4 : i32
    %roll3A_86 = tpu.dynamic_rotate %or3A_84 by %roll3A_85 dim 2 : vector<4x64x128xi32>, i32 -> vector<4x64x128xi32>
    %or3A_87 = arith.ori %or3A_84, %roll3A_86 : vector<4x64x128xi32>
    %roll3A_88 = arith.constant 8 : i32
    %roll3A_89 = tpu.dynamic_rotate %or3A_87 by %roll3A_88 dim 2 : vector<4x64x128xi32>, i32 -> vector<4x64x128xi32>
    %or3A_90 = arith.ori %or3A_87, %roll3A_89 : vector<4x64x128xi32>
    %roll3A_91 = arith.constant 16 : i32
    %roll3A_92 = tpu.dynamic_rotate %or3A_90 by %roll3A_91 dim 2 : vector<4x64x128xi32>, i32 -> vector<4x64x128xi32>
    %or3A_93 = arith.ori %or3A_90, %roll3A_92 : vector<4x64x128xi32>
    %roll3A_94 = arith.constant 127 : i32
    %roll3A_95 = tpu.dynamic_rotate %or3A_61 by %roll3A_94 dim 2 : vector<4x64x128xi32>, i32 -> vector<4x64x128xi32>
    %or3A_96 = arith.ori %or3A_61, %roll3A_95 : vector<4x64x128xi32>
    %roll3A_97 = arith.constant 126 : i32
    %roll3A_98 = tpu.dynamic_rotate %or3A_96 by %roll3A_97 dim 2 : vector<4x64x128xi32>, i32 -> vector<4x64x128xi32>
    %or3A_99 = arith.ori %or3A_96, %roll3A_98 : vector<4x64x128xi32>
    %roll3A_100 = arith.constant 124 : i32
    %roll3A_101 = tpu.dynamic_rotate %or3A_99 by %roll3A_100 dim 2 : vector<4x64x128xi32>, i32 -> vector<4x64x128xi32>
    %or3A_102 = arith.ori %or3A_99, %roll3A_101 : vector<4x64x128xi32>
    %roll3A_103 = arith.constant 120 : i32
    %roll3A_104 = tpu.dynamic_rotate %or3A_102 by %roll3A_103 dim 2 : vector<4x64x128xi32>, i32 -> vector<4x64x128xi32>
    %or3A_105 = arith.ori %or3A_102, %roll3A_104 : vector<4x64x128xi32>
    %roll3A_106 = arith.constant 112 : i32
    %roll3A_107 = tpu.dynamic_rotate %or3A_105 by %roll3A_106 dim 2 : vector<4x64x128xi32>, i32 -> vector<4x64x128xi32>
    %or3A_108 = arith.ori %or3A_105, %roll3A_107 : vector<4x64x128xi32>
    %roll3A_109 = arith.constant 1 : i32
    %roll3A_110 = tpu.dynamic_rotate %or3A_70 by %roll3A_109 dim 1 : vector<4x64x128xi32>, i32 -> vector<4x64x128xi32>
    %or3A_111 = arith.ori %or3A_70, %roll3A_110 : vector<4x64x128xi32>
    %roll3A_112 = arith.constant 2 : i32
    %roll3A_113 = tpu.dynamic_rotate %or3A_111 by %roll3A_112 dim 1 : vector<4x64x128xi32>, i32 -> vector<4x64x128xi32>
    %or3A_114 = arith.ori %or3A_111, %roll3A_113 : vector<4x64x128xi32>
    %roll3A_115 = arith.constant 4 : i32
    %roll3A_116 = tpu.dynamic_rotate %or3A_114 by %roll3A_115 dim 1 : vector<4x64x128xi32>, i32 -> vector<4x64x128xi32>
    %or3A_117 = arith.ori %or3A_114, %roll3A_116 : vector<4x64x128xi32>
    %roll3A_118 = arith.constant 8 : i32
    %roll3A_119 = tpu.dynamic_rotate %or3A_117 by %roll3A_118 dim 1 : vector<4x64x128xi32>, i32 -> vector<4x64x128xi32>
    %or3A_120 = arith.ori %or3A_117, %roll3A_119 : vector<4x64x128xi32>
    %roll3A_121 = arith.constant 16 : i32
    %roll3A_122 = tpu.dynamic_rotate %or3A_120 by %roll3A_121 dim 1 : vector<4x64x128xi32>, i32 -> vector<4x64x128xi32>
    %or3A_123 = arith.ori %or3A_120, %roll3A_122 : vector<4x64x128xi32>
    %roll3A_124 = arith.constant 63 : i32
    %roll3A_125 = tpu.dynamic_rotate %or3A_79 by %roll3A_124 dim 1 : vector<4x64x128xi32>, i32 -> vector<4x64x128xi32>
    %or3A_126 = arith.ori %or3A_79, %roll3A_125 : vector<4x64x128xi32>
    %roll3A_127 = arith.constant 62 : i32
    %roll3A_128 = tpu.dynamic_rotate %or3A_126 by %roll3A_127 dim 1 : vector<4x64x128xi32>, i32 -> vector<4x64x128xi32>
    %or3A_129 = arith.ori %or3A_126, %roll3A_128 : vector<4x64x128xi32>
    %roll3A_130 = arith.constant 60 : i32
    %roll3A_131 = tpu.dynamic_rotate %or3A_129 by %roll3A_130 dim 1 : vector<4x64x128xi32>, i32 -> vector<4x64x128xi32>
    %or3A_132 = arith.ori %or3A_129, %roll3A_131 : vector<4x64x128xi32>
    %roll3A_133 = arith.constant 56 : i32
    %roll3A_134 = tpu.dynamic_rotate %or3A_132 by %roll3A_133 dim 1 : vector<4x64x128xi32>, i32 -> vector<4x64x128xi32>
    %or3A_135 = arith.ori %or3A_132, %roll3A_134 : vector<4x64x128xi32>
    %roll3A_136 = arith.constant 48 : i32
    %roll3A_137 = tpu.dynamic_rotate %or3A_135 by %roll3A_136 dim 1 : vector<4x64x128xi32>, i32 -> vector<4x64x128xi32>
    %or3A_138 = arith.ori %or3A_135, %roll3A_137 : vector<4x64x128xi32>
    %roll3A_139 = arith.constant 1 : i32
    %roll3A_140 = tpu.dynamic_rotate %select_n3A by %roll3A_139 dim 2 : vector<4x64x128xi32>, i32 -> vector<4x64x128xi32>
    %or3A_141 = arith.ori %roll3A_140, %or3A_48 : vector<4x64x128xi32>
    %min3A = arith.minsi %select_n3A, %or3A_141 : vector<4x64x128xi32>
    %roll3A_142 = arith.constant 2 : i32
    %roll3A_143 = tpu.dynamic_rotate %min3A by %roll3A_142 dim 2 : vector<4x64x128xi32>, i32 -> vector<4x64x128xi32>
    %or3A_144 = arith.ori %roll3A_143, %or3A_81 : vector<4x64x128xi32>
    %min3A_145 = arith.minsi %min3A, %or3A_144 : vector<4x64x128xi32>
    %roll3A_146 = arith.constant 4 : i32
    %roll3A_147 = tpu.dynamic_rotate %min3A_145 by %roll3A_146 dim 2 : vector<4x64x128xi32>, i32 -> vector<4x64x128xi32>
    %or3A_148 = arith.ori %roll3A_147, %or3A_84 : vector<4x64x128xi32>
    %min3A_149 = arith.minsi %min3A_145, %or3A_148 : vector<4x64x128xi32>
    %roll3A_150 = arith.constant 8 : i32
    %roll3A_151 = tpu.dynamic_rotate %min3A_149 by %roll3A_150 dim 2 : vector<4x64x128xi32>, i32 -> vector<4x64x128xi32>
    %or3A_152 = arith.ori %roll3A_151, %or3A_87 : vector<4x64x128xi32>
    %min3A_153 = arith.minsi %min3A_149, %or3A_152 : vector<4x64x128xi32>
    %roll3A_154 = arith.constant 16 : i32
    %roll3A_155 = tpu.dynamic_rotate %min3A_153 by %roll3A_154 dim 2 : vector<4x64x128xi32>, i32 -> vector<4x64x128xi32>
    %or3A_156 = arith.ori %roll3A_155, %or3A_90 : vector<4x64x128xi32>
    %min3A_157 = arith.minsi %min3A_153, %or3A_156 : vector<4x64x128xi32>
    %roll3A_158 = arith.constant 32 : i32
    %roll3A_159 = tpu.dynamic_rotate %min3A_157 by %roll3A_158 dim 2 : vector<4x64x128xi32>, i32 -> vector<4x64x128xi32>
    %or3A_160 = arith.ori %roll3A_159, %or3A_93 : vector<4x64x128xi32>
    %min3A_161 = arith.minsi %min3A_157, %or3A_160 : vector<4x64x128xi32>
    %roll3A_162 = arith.constant 127 : i32
    %roll3A_163 = tpu.dynamic_rotate %select_n3A by %roll3A_162 dim 2 : vector<4x64x128xi32>, i32 -> vector<4x64x128xi32>
    %or3A_164 = arith.ori %roll3A_163, %or3A_61 : vector<4x64x128xi32>
    %min3A_165 = arith.minsi %select_n3A, %or3A_164 : vector<4x64x128xi32>
    %roll3A_166 = arith.constant 126 : i32
    %roll3A_167 = tpu.dynamic_rotate %min3A_165 by %roll3A_166 dim 2 : vector<4x64x128xi32>, i32 -> vector<4x64x128xi32>
    %or3A_168 = arith.ori %roll3A_167, %or3A_96 : vector<4x64x128xi32>
    %min3A_169 = arith.minsi %min3A_165, %or3A_168 : vector<4x64x128xi32>
    %roll3A_170 = arith.constant 124 : i32
    %roll3A_171 = tpu.dynamic_rotate %min3A_169 by %roll3A_170 dim 2 : vector<4x64x128xi32>, i32 -> vector<4x64x128xi32>
    %or3A_172 = arith.ori %roll3A_171, %or3A_99 : vector<4x64x128xi32>
    %min3A_173 = arith.minsi %min3A_169, %or3A_172 : vector<4x64x128xi32>
    %roll3A_174 = arith.constant 120 : i32
    %roll3A_175 = tpu.dynamic_rotate %min3A_173 by %roll3A_174 dim 2 : vector<4x64x128xi32>, i32 -> vector<4x64x128xi32>
    %or3A_176 = arith.ori %roll3A_175, %or3A_102 : vector<4x64x128xi32>
    %min3A_177 = arith.minsi %min3A_173, %or3A_176 : vector<4x64x128xi32>
    %roll3A_178 = arith.constant 112 : i32
    %roll3A_179 = tpu.dynamic_rotate %min3A_177 by %roll3A_178 dim 2 : vector<4x64x128xi32>, i32 -> vector<4x64x128xi32>
    %or3A_180 = arith.ori %roll3A_179, %or3A_105 : vector<4x64x128xi32>
    %min3A_181 = arith.minsi %min3A_177, %or3A_180 : vector<4x64x128xi32>
    %roll3A_182 = arith.constant 96 : i32
    %roll3A_183 = tpu.dynamic_rotate %min3A_181 by %roll3A_182 dim 2 : vector<4x64x128xi32>, i32 -> vector<4x64x128xi32>
    %or3A_184 = arith.ori %roll3A_183, %or3A_108 : vector<4x64x128xi32>
    %min3A_185 = arith.minsi %min3A_181, %or3A_184 : vector<4x64x128xi32>
    %min3A_186 = arith.minsi %min3A_161, %min3A_185 : vector<4x64x128xi32>
    %roll3A_187 = arith.constant 1 : i32
    %roll3A_188 = tpu.dynamic_rotate %min3A_186 by %roll3A_187 dim 1 : vector<4x64x128xi32>, i32 -> vector<4x64x128xi32>
    %or3A_189 = arith.ori %roll3A_188, %or3A_70 : vector<4x64x128xi32>
    %min3A_190 = arith.minsi %min3A_186, %or3A_189 : vector<4x64x128xi32>
    %roll3A_191 = arith.constant 2 : i32
    %roll3A_192 = tpu.dynamic_rotate %min3A_190 by %roll3A_191 dim 1 : vector<4x64x128xi32>, i32 -> vector<4x64x128xi32>
    %or3A_193 = arith.ori %roll3A_192, %or3A_111 : vector<4x64x128xi32>
    %min3A_194 = arith.minsi %min3A_190, %or3A_193 : vector<4x64x128xi32>
    %roll3A_195 = arith.constant 4 : i32
    %roll3A_196 = tpu.dynamic_rotate %min3A_194 by %roll3A_195 dim 1 : vector<4x64x128xi32>, i32 -> vector<4x64x128xi32>
    %or3A_197 = arith.ori %roll3A_196, %or3A_114 : vector<4x64x128xi32>
    %min3A_198 = arith.minsi %min3A_194, %or3A_197 : vector<4x64x128xi32>
    %roll3A_199 = arith.constant 8 : i32
    %roll3A_200 = tpu.dynamic_rotate %min3A_198 by %roll3A_199 dim 1 : vector<4x64x128xi32>, i32 -> vector<4x64x128xi32>
    %or3A_201 = arith.ori %roll3A_200, %or3A_117 : vector<4x64x128xi32>
    %min3A_202 = arith.minsi %min3A_198, %or3A_201 : vector<4x64x128xi32>
    %roll3A_203 = arith.constant 16 : i32
    %roll3A_204 = tpu.dynamic_rotate %min3A_202 by %roll3A_203 dim 1 : vector<4x64x128xi32>, i32 -> vector<4x64x128xi32>
    %or3A_205 = arith.ori %roll3A_204, %or3A_120 : vector<4x64x128xi32>
    %min3A_206 = arith.minsi %min3A_202, %or3A_205 : vector<4x64x128xi32>
    %roll3A_207 = arith.constant 32 : i32
    %roll3A_208 = tpu.dynamic_rotate %min3A_206 by %roll3A_207 dim 1 : vector<4x64x128xi32>, i32 -> vector<4x64x128xi32>
    %or3A_209 = arith.ori %roll3A_208, %or3A_123 : vector<4x64x128xi32>
    %min3A_210 = arith.minsi %min3A_206, %or3A_209 : vector<4x64x128xi32>
    %roll3A_211 = arith.constant 63 : i32
    %roll3A_212 = tpu.dynamic_rotate %min3A_186 by %roll3A_211 dim 1 : vector<4x64x128xi32>, i32 -> vector<4x64x128xi32>
    %or3A_213 = arith.ori %roll3A_212, %or3A_79 : vector<4x64x128xi32>
    %min3A_214 = arith.minsi %min3A_186, %or3A_213 : vector<4x64x128xi32>
    %roll3A_215 = arith.constant 62 : i32
    %roll3A_216 = tpu.dynamic_rotate %min3A_214 by %roll3A_215 dim 1 : vector<4x64x128xi32>, i32 -> vector<4x64x128xi32>
    %or3A_217 = arith.ori %roll3A_216, %or3A_126 : vector<4x64x128xi32>
    %min3A_218 = arith.minsi %min3A_214, %or3A_217 : vector<4x64x128xi32>
    %roll3A_219 = arith.constant 60 : i32
    %roll3A_220 = tpu.dynamic_rotate %min3A_218 by %roll3A_219 dim 1 : vector<4x64x128xi32>, i32 -> vector<4x64x128xi32>
    %or3A_221 = arith.ori %roll3A_220, %or3A_129 : vector<4x64x128xi32>
    %min3A_222 = arith.minsi %min3A_218, %or3A_221 : vector<4x64x128xi32>
    %roll3A_223 = arith.constant 56 : i32
    %roll3A_224 = tpu.dynamic_rotate %min3A_222 by %roll3A_223 dim 1 : vector<4x64x128xi32>, i32 -> vector<4x64x128xi32>
    %or3A_225 = arith.ori %roll3A_224, %or3A_132 : vector<4x64x128xi32>
    %min3A_226 = arith.minsi %min3A_222, %or3A_225 : vector<4x64x128xi32>
    %roll3A_227 = arith.constant 48 : i32
    %roll3A_228 = tpu.dynamic_rotate %min3A_226 by %roll3A_227 dim 1 : vector<4x64x128xi32>, i32 -> vector<4x64x128xi32>
    %or3A_229 = arith.ori %roll3A_228, %or3A_135 : vector<4x64x128xi32>
    %min3A_230 = arith.minsi %min3A_226, %or3A_229 : vector<4x64x128xi32>
    %roll3A_231 = arith.constant 32 : i32
    %roll3A_232 = tpu.dynamic_rotate %min3A_230 by %roll3A_231 dim 1 : vector<4x64x128xi32>, i32 -> vector<4x64x128xi32>
    %or3A_233 = arith.ori %roll3A_232, %or3A_138 : vector<4x64x128xi32>
    %min3A_234 = arith.minsi %min3A_230, %or3A_233 : vector<4x64x128xi32>
    %min3A_235 = arith.minsi %min3A_210, %min3A_234 : vector<4x64x128xi32>
    %while3A:2 = scf.while (%while3A_400 = %select_n3A, %while3A_401 = %min3A_235) : (vector<4x64x128xi32>, vector<4x64x128xi32>) -> (vector<4x64x128xi32>, vector<4x64x128xi32>) {
      %ne3A_402 = arith.cmpi ne, %while3A_400, %while3A_401 : vector<4x64x128xi32>
      %reduce_or3A = arith.constant 1.000000e+00 : f32
      %reduce_or3A_403 = arith.constant 0.000000e+00 : f32
      %reduce_or3A_404 = vector.broadcast %reduce_or3A : f32 to vector<4x64x128xf32>
      %reduce_or3A_405 = vector.broadcast %reduce_or3A_403 : f32 to vector<4x64x128xf32>
      %reduce_or3A_406 = arith.select %ne3A_402, %reduce_or3A_404, %reduce_or3A_405 : vector<4x64x128xi1>, vector<4x64x128xf32>
      %reduce_or3A_407 = vector.shape_cast %reduce_or3A_406 : vector<4x64x128xf32> to vector<1x4x64x128xf32>
      %reduce_or3A_408 = arith.constant dense<0xFF800000> : vector<1xf32>
      %reduce_or3A_409 = vector.multi_reduction <maximumf>, %reduce_or3A_407, %reduce_or3A_408 [1, 2, 3] : vector<1x4x64x128xf32> to vector<1xf32>
      %reduce_or3A_410 = vector.shape_cast %reduce_or3A_409 : vector<1xf32> to vector<1x1x1x1xf32>
      %reduce_or3A_411 = vector.extract %reduce_or3A_410[0, 0, 0, 0] : f32 from vector<1x1x1x1xf32>
      %reduce_or3A_412 = arith.constant 0.000000e+00 : f32
      %reduce_or3A_413 = arith.cmpf ogt, %reduce_or3A_411, %reduce_or3A_412 : f32
      scf.condition(%reduce_or3A_413) %while3A_400, %while3A_401 : vector<4x64x128xi32>, vector<4x64x128xi32>
    } do {
    ^bb0(%while3A_400: vector<4x64x128xi32>, %while3A_401: vector<4x64x128xi32>):
      %roll3A_402 = arith.constant 1 : i32
      %roll3A_403 = tpu.dynamic_rotate %while3A_401 by %roll3A_402 dim 2 : vector<4x64x128xi32>, i32 -> vector<4x64x128xi32>
      %or3A_404 = arith.ori %roll3A_403, %or3A_48 : vector<4x64x128xi32>
      %min3A_405 = arith.minsi %while3A_401, %or3A_404 : vector<4x64x128xi32>
      %roll3A_406 = arith.constant 2 : i32
      %roll3A_407 = tpu.dynamic_rotate %min3A_405 by %roll3A_406 dim 2 : vector<4x64x128xi32>, i32 -> vector<4x64x128xi32>
      %or3A_408 = arith.ori %roll3A_407, %or3A_81 : vector<4x64x128xi32>
      %min3A_409 = arith.minsi %min3A_405, %or3A_408 : vector<4x64x128xi32>
      %roll3A_410 = arith.constant 4 : i32
      %roll3A_411 = tpu.dynamic_rotate %min3A_409 by %roll3A_410 dim 2 : vector<4x64x128xi32>, i32 -> vector<4x64x128xi32>
      %or3A_412 = arith.ori %roll3A_411, %or3A_84 : vector<4x64x128xi32>
      %min3A_413 = arith.minsi %min3A_409, %or3A_412 : vector<4x64x128xi32>
      %roll3A_414 = arith.constant 8 : i32
      %roll3A_415 = tpu.dynamic_rotate %min3A_413 by %roll3A_414 dim 2 : vector<4x64x128xi32>, i32 -> vector<4x64x128xi32>
      %or3A_416 = arith.ori %roll3A_415, %or3A_87 : vector<4x64x128xi32>
      %min3A_417 = arith.minsi %min3A_413, %or3A_416 : vector<4x64x128xi32>
      %roll3A_418 = arith.constant 16 : i32
      %roll3A_419 = tpu.dynamic_rotate %min3A_417 by %roll3A_418 dim 2 : vector<4x64x128xi32>, i32 -> vector<4x64x128xi32>
      %or3A_420 = arith.ori %roll3A_419, %or3A_90 : vector<4x64x128xi32>
      %min3A_421 = arith.minsi %min3A_417, %or3A_420 : vector<4x64x128xi32>
      %roll3A_422 = arith.constant 32 : i32
      %roll3A_423 = tpu.dynamic_rotate %min3A_421 by %roll3A_422 dim 2 : vector<4x64x128xi32>, i32 -> vector<4x64x128xi32>
      %or3A_424 = arith.ori %roll3A_423, %or3A_93 : vector<4x64x128xi32>
      %min3A_425 = arith.minsi %min3A_421, %or3A_424 : vector<4x64x128xi32>
      %roll3A_426 = arith.constant 127 : i32
      %roll3A_427 = tpu.dynamic_rotate %while3A_401 by %roll3A_426 dim 2 : vector<4x64x128xi32>, i32 -> vector<4x64x128xi32>
      %or3A_428 = arith.ori %roll3A_427, %or3A_61 : vector<4x64x128xi32>
      %min3A_429 = arith.minsi %while3A_401, %or3A_428 : vector<4x64x128xi32>
      %roll3A_430 = arith.constant 126 : i32
      %roll3A_431 = tpu.dynamic_rotate %min3A_429 by %roll3A_430 dim 2 : vector<4x64x128xi32>, i32 -> vector<4x64x128xi32>
      %or3A_432 = arith.ori %roll3A_431, %or3A_96 : vector<4x64x128xi32>
      %min3A_433 = arith.minsi %min3A_429, %or3A_432 : vector<4x64x128xi32>
      %roll3A_434 = arith.constant 124 : i32
      %roll3A_435 = tpu.dynamic_rotate %min3A_433 by %roll3A_434 dim 2 : vector<4x64x128xi32>, i32 -> vector<4x64x128xi32>
      %or3A_436 = arith.ori %roll3A_435, %or3A_99 : vector<4x64x128xi32>
      %min3A_437 = arith.minsi %min3A_433, %or3A_436 : vector<4x64x128xi32>
      %roll3A_438 = arith.constant 120 : i32
      %roll3A_439 = tpu.dynamic_rotate %min3A_437 by %roll3A_438 dim 2 : vector<4x64x128xi32>, i32 -> vector<4x64x128xi32>
      %or3A_440 = arith.ori %roll3A_439, %or3A_102 : vector<4x64x128xi32>
      %min3A_441 = arith.minsi %min3A_437, %or3A_440 : vector<4x64x128xi32>
      %roll3A_442 = arith.constant 112 : i32
      %roll3A_443 = tpu.dynamic_rotate %min3A_441 by %roll3A_442 dim 2 : vector<4x64x128xi32>, i32 -> vector<4x64x128xi32>
      %or3A_444 = arith.ori %roll3A_443, %or3A_105 : vector<4x64x128xi32>
      %min3A_445 = arith.minsi %min3A_441, %or3A_444 : vector<4x64x128xi32>
      %roll3A_446 = arith.constant 96 : i32
      %roll3A_447 = tpu.dynamic_rotate %min3A_445 by %roll3A_446 dim 2 : vector<4x64x128xi32>, i32 -> vector<4x64x128xi32>
      %or3A_448 = arith.ori %roll3A_447, %or3A_108 : vector<4x64x128xi32>
      %min3A_449 = arith.minsi %min3A_445, %or3A_448 : vector<4x64x128xi32>
      %min3A_450 = arith.minsi %min3A_425, %min3A_449 : vector<4x64x128xi32>
      %roll3A_451 = arith.constant 1 : i32
      %roll3A_452 = tpu.dynamic_rotate %min3A_450 by %roll3A_451 dim 1 : vector<4x64x128xi32>, i32 -> vector<4x64x128xi32>
      %or3A_453 = arith.ori %roll3A_452, %or3A_70 : vector<4x64x128xi32>
      %min3A_454 = arith.minsi %min3A_450, %or3A_453 : vector<4x64x128xi32>
      %roll3A_455 = arith.constant 2 : i32
      %roll3A_456 = tpu.dynamic_rotate %min3A_454 by %roll3A_455 dim 1 : vector<4x64x128xi32>, i32 -> vector<4x64x128xi32>
      %or3A_457 = arith.ori %roll3A_456, %or3A_111 : vector<4x64x128xi32>
      %min3A_458 = arith.minsi %min3A_454, %or3A_457 : vector<4x64x128xi32>
      %roll3A_459 = arith.constant 4 : i32
      %roll3A_460 = tpu.dynamic_rotate %min3A_458 by %roll3A_459 dim 1 : vector<4x64x128xi32>, i32 -> vector<4x64x128xi32>
      %or3A_461 = arith.ori %roll3A_460, %or3A_114 : vector<4x64x128xi32>
      %min3A_462 = arith.minsi %min3A_458, %or3A_461 : vector<4x64x128xi32>
      %roll3A_463 = arith.constant 8 : i32
      %roll3A_464 = tpu.dynamic_rotate %min3A_462 by %roll3A_463 dim 1 : vector<4x64x128xi32>, i32 -> vector<4x64x128xi32>
      %or3A_465 = arith.ori %roll3A_464, %or3A_117 : vector<4x64x128xi32>
      %min3A_466 = arith.minsi %min3A_462, %or3A_465 : vector<4x64x128xi32>
      %roll3A_467 = arith.constant 16 : i32
      %roll3A_468 = tpu.dynamic_rotate %min3A_466 by %roll3A_467 dim 1 : vector<4x64x128xi32>, i32 -> vector<4x64x128xi32>
      %or3A_469 = arith.ori %roll3A_468, %or3A_120 : vector<4x64x128xi32>
      %min3A_470 = arith.minsi %min3A_466, %or3A_469 : vector<4x64x128xi32>
      %roll3A_471 = arith.constant 32 : i32
      %roll3A_472 = tpu.dynamic_rotate %min3A_470 by %roll3A_471 dim 1 : vector<4x64x128xi32>, i32 -> vector<4x64x128xi32>
      %or3A_473 = arith.ori %roll3A_472, %or3A_123 : vector<4x64x128xi32>
      %min3A_474 = arith.minsi %min3A_470, %or3A_473 : vector<4x64x128xi32>
      %roll3A_475 = arith.constant 63 : i32
      %roll3A_476 = tpu.dynamic_rotate %min3A_450 by %roll3A_475 dim 1 : vector<4x64x128xi32>, i32 -> vector<4x64x128xi32>
      %or3A_477 = arith.ori %roll3A_476, %or3A_79 : vector<4x64x128xi32>
      %min3A_478 = arith.minsi %min3A_450, %or3A_477 : vector<4x64x128xi32>
      %roll3A_479 = arith.constant 62 : i32
      %roll3A_480 = tpu.dynamic_rotate %min3A_478 by %roll3A_479 dim 1 : vector<4x64x128xi32>, i32 -> vector<4x64x128xi32>
      %or3A_481 = arith.ori %roll3A_480, %or3A_126 : vector<4x64x128xi32>
      %min3A_482 = arith.minsi %min3A_478, %or3A_481 : vector<4x64x128xi32>
      %roll3A_483 = arith.constant 60 : i32
      %roll3A_484 = tpu.dynamic_rotate %min3A_482 by %roll3A_483 dim 1 : vector<4x64x128xi32>, i32 -> vector<4x64x128xi32>
      %or3A_485 = arith.ori %roll3A_484, %or3A_129 : vector<4x64x128xi32>
      %min3A_486 = arith.minsi %min3A_482, %or3A_485 : vector<4x64x128xi32>
      %roll3A_487 = arith.constant 56 : i32
      %roll3A_488 = tpu.dynamic_rotate %min3A_486 by %roll3A_487 dim 1 : vector<4x64x128xi32>, i32 -> vector<4x64x128xi32>
      %or3A_489 = arith.ori %roll3A_488, %or3A_132 : vector<4x64x128xi32>
      %min3A_490 = arith.minsi %min3A_486, %or3A_489 : vector<4x64x128xi32>
      %roll3A_491 = arith.constant 48 : i32
      %roll3A_492 = tpu.dynamic_rotate %min3A_490 by %roll3A_491 dim 1 : vector<4x64x128xi32>, i32 -> vector<4x64x128xi32>
      %or3A_493 = arith.ori %roll3A_492, %or3A_135 : vector<4x64x128xi32>
      %min3A_494 = arith.minsi %min3A_490, %or3A_493 : vector<4x64x128xi32>
      %roll3A_495 = arith.constant 32 : i32
      %roll3A_496 = tpu.dynamic_rotate %min3A_494 by %roll3A_495 dim 1 : vector<4x64x128xi32>, i32 -> vector<4x64x128xi32>
      %or3A_497 = arith.ori %roll3A_496, %or3A_138 : vector<4x64x128xi32>
      %min3A_498 = arith.minsi %min3A_494, %or3A_497 : vector<4x64x128xi32>
      %min3A_499 = arith.minsi %min3A_474, %min3A_498 : vector<4x64x128xi32>
      scf.yield %while3A_401, %min3A_499 : vector<4x64x128xi32>, vector<4x64x128xi32>
    }
    %add3A_236 = arith.constant 1 : i32
    %add3A_237 = vector.broadcast %add3A_236 : i32 to vector<4x64x128xi32>
    %add3A_238 = arith.addi %add3A_33, %add3A_237 : vector<4x64x128xi32>
    %eq3A_239 = arith.cmpi eq, %while3A#1, %add3A_238 : vector<4x64x128xi32>
    %and3A_240 = arith.andi %ne3A_7, %eq3A_239 : vector<4x64x128xi1>
    %jit3A_241 = arith.constant 1 : i32
    %jit3A_242 = arith.constant 0 : i32
    %broadcast_in_dim3A_243 = vector.broadcast %jit3A_241 : i32 to vector<4x64x128xi32>
    %broadcast_in_dim3A_244 = vector.broadcast %jit3A_242 : i32 to vector<4x64x128xi32>
    %select_n3A_245 = arith.select %and3A_240, %broadcast_in_dim3A_243, %broadcast_in_dim3A_244 : vector<4x64x128xi1>, vector<4x64x128xi32>
    %broadcast_in_dim3A_246 = arith.constant 0 : i32
    %broadcast_in_dim3A_247 = vector.broadcast %broadcast_in_dim3A_246 : i32 to vector<4x64x1xi32>
    %slice3A = vector.extract_strided_slice %select_n3A_245 {offsets = [0, 0, 0], sizes = [4, 64, 127], strides = [1, 1, 1]} : vector<4x64x128xi32> to vector<4x64x127xi32>
    %concatenate3A = tpu.concatenate %broadcast_in_dim3A_247, %slice3A in 2 : vector<4x64x1xi32>, vector<4x64x127xi32> -> vector<4x64x128xi32>
    %add3A_248 = arith.addi %select_n3A_245, %concatenate3A : vector<4x64x128xi32>
    %broadcast_in_dim3A_249 = arith.constant 0 : i32
    %broadcast_in_dim3A_250 = vector.broadcast %broadcast_in_dim3A_249 : i32 to vector<4x64x2xi32>
    %slice3A_251 = vector.extract_strided_slice %add3A_248 {offsets = [0, 0, 0], sizes = [4, 64, 126], strides = [1, 1, 1]} : vector<4x64x128xi32> to vector<4x64x126xi32>
    %concatenate3A_252 = tpu.concatenate %broadcast_in_dim3A_250, %slice3A_251 in 2 : vector<4x64x2xi32>, vector<4x64x126xi32> -> vector<4x64x128xi32>
    %add3A_253 = arith.addi %add3A_248, %concatenate3A_252 : vector<4x64x128xi32>
    %broadcast_in_dim3A_254 = arith.constant 0 : i32
    %broadcast_in_dim3A_255 = vector.broadcast %broadcast_in_dim3A_254 : i32 to vector<4x64x4xi32>
    %slice3A_256 = vector.extract_strided_slice %add3A_253 {offsets = [0, 0, 0], sizes = [4, 64, 124], strides = [1, 1, 1]} : vector<4x64x128xi32> to vector<4x64x124xi32>
    %concatenate3A_257 = tpu.concatenate %broadcast_in_dim3A_255, %slice3A_256 in 2 : vector<4x64x4xi32>, vector<4x64x124xi32> -> vector<4x64x128xi32>
    %add3A_258 = arith.addi %add3A_253, %concatenate3A_257 : vector<4x64x128xi32>
    %broadcast_in_dim3A_259 = arith.constant 0 : i32
    %broadcast_in_dim3A_260 = vector.broadcast %broadcast_in_dim3A_259 : i32 to vector<4x64x8xi32>
    %slice3A_261 = vector.extract_strided_slice %add3A_258 {offsets = [0, 0, 0], sizes = [4, 64, 120], strides = [1, 1, 1]} : vector<4x64x128xi32> to vector<4x64x120xi32>
    %concatenate3A_262 = tpu.concatenate %broadcast_in_dim3A_260, %slice3A_261 in 2 : vector<4x64x8xi32>, vector<4x64x120xi32> -> vector<4x64x128xi32>
    %add3A_263 = arith.addi %add3A_258, %concatenate3A_262 : vector<4x64x128xi32>
    %broadcast_in_dim3A_264 = arith.constant 0 : i32
    %broadcast_in_dim3A_265 = vector.broadcast %broadcast_in_dim3A_264 : i32 to vector<4x64x16xi32>
    %slice3A_266 = vector.extract_strided_slice %add3A_263 {offsets = [0, 0, 0], sizes = [4, 64, 112], strides = [1, 1, 1]} : vector<4x64x128xi32> to vector<4x64x112xi32>
    %concatenate3A_267 = tpu.concatenate %broadcast_in_dim3A_265, %slice3A_266 in 2 : vector<4x64x16xi32>, vector<4x64x112xi32> -> vector<4x64x128xi32>
    %add3A_268 = arith.addi %add3A_263, %concatenate3A_267 : vector<4x64x128xi32>
    %broadcast_in_dim3A_269 = arith.constant 0 : i32
    %broadcast_in_dim3A_270 = vector.broadcast %broadcast_in_dim3A_269 : i32 to vector<4x64x32xi32>
    %slice3A_271 = vector.extract_strided_slice %add3A_268 {offsets = [0, 0, 0], sizes = [4, 64, 96], strides = [1, 1, 1]} : vector<4x64x128xi32> to vector<4x64x96xi32>
    %concatenate3A_272 = tpu.concatenate %broadcast_in_dim3A_270, %slice3A_271 in 2 : vector<4x64x32xi32>, vector<4x64x96xi32> -> vector<4x64x128xi32>
    %add3A_273 = arith.addi %add3A_268, %concatenate3A_272 : vector<4x64x128xi32>
    %broadcast_in_dim3A_274 = arith.constant 0 : i32
    %broadcast_in_dim3A_275 = vector.broadcast %broadcast_in_dim3A_274 : i32 to vector<4x64x64xi32>
    %slice3A_276 = vector.extract_strided_slice %add3A_273 {offsets = [0, 0, 0], sizes = [4, 64, 64], strides = [1, 1, 1]} : vector<4x64x128xi32> to vector<4x64x64xi32>
    %concatenate3A_277 = tpu.concatenate %broadcast_in_dim3A_275, %slice3A_276 in 2 : vector<4x64x64xi32>, vector<4x64x64xi32> -> vector<4x64x128xi32>
    %add3A_278 = arith.addi %add3A_273, %concatenate3A_277 : vector<4x64x128xi32>
    %slice3A_279 = vector.extract_strided_slice %add3A_278 {offsets = [0, 0, 63], sizes = [4, 64, 1], strides = [1, 1, 1]} : vector<4x64x128xi32> to vector<4x64x1xi32>
    %squeeze3A = vector.shape_cast %slice3A_279 : vector<4x64x1xi32> to vector<4x64xi32>
    %slice3A_280 = vector.extract_strided_slice %add3A_278 {offsets = [0, 0, 127], sizes = [4, 64, 1], strides = [1, 1, 1]} : vector<4x64x128xi32> to vector<4x64x1xi32>
    %squeeze3A_281 = vector.shape_cast %slice3A_280 : vector<4x64x1xi32> to vector<4x64xi32>
    %sub3A_282 = arith.subi %squeeze3A_281, %squeeze3A : vector<4x64xi32>
    %broadcast_in_dim3A_283 = arith.constant 0 : i32
    %broadcast_in_dim3A_284 = vector.broadcast %broadcast_in_dim3A_283 : i32 to vector<4x1xi32>
    %slice3A_285 = vector.extract_strided_slice %squeeze3A {offsets = [0, 0], sizes = [4, 63], strides = [1, 1]} : vector<4x64xi32> to vector<4x63xi32>
    %concatenate3A_286 = tpu.concatenate %broadcast_in_dim3A_284, %slice3A_285 in 1 : vector<4x1xi32>, vector<4x63xi32> -> vector<4x64xi32>
    %add3A_287 = arith.addi %squeeze3A, %concatenate3A_286 : vector<4x64xi32>
    %broadcast_in_dim3A_288 = arith.constant 0 : i32
    %broadcast_in_dim3A_289 = vector.broadcast %broadcast_in_dim3A_288 : i32 to vector<4x2xi32>
    %slice3A_290 = vector.extract_strided_slice %add3A_287 {offsets = [0, 0], sizes = [4, 62], strides = [1, 1]} : vector<4x64xi32> to vector<4x62xi32>
    %concatenate3A_291 = tpu.concatenate %broadcast_in_dim3A_289, %slice3A_290 in 1 : vector<4x2xi32>, vector<4x62xi32> -> vector<4x64xi32>
    %add3A_292 = arith.addi %add3A_287, %concatenate3A_291 : vector<4x64xi32>
    %broadcast_in_dim3A_293 = arith.constant 0 : i32
    %broadcast_in_dim3A_294 = vector.broadcast %broadcast_in_dim3A_293 : i32 to vector<4x4xi32>
    %slice3A_295 = vector.extract_strided_slice %add3A_292 {offsets = [0, 0], sizes = [4, 60], strides = [1, 1]} : vector<4x64xi32> to vector<4x60xi32>
    %concatenate3A_296 = tpu.concatenate %broadcast_in_dim3A_294, %slice3A_295 in 1 : vector<4x4xi32>, vector<4x60xi32> -> vector<4x64xi32>
    %add3A_297 = arith.addi %add3A_292, %concatenate3A_296 : vector<4x64xi32>
    %broadcast_in_dim3A_298 = arith.constant 0 : i32
    %broadcast_in_dim3A_299 = vector.broadcast %broadcast_in_dim3A_298 : i32 to vector<4x8xi32>
    %slice3A_300 = vector.extract_strided_slice %add3A_297 {offsets = [0, 0], sizes = [4, 56], strides = [1, 1]} : vector<4x64xi32> to vector<4x56xi32>
    %concatenate3A_301 = tpu.concatenate %broadcast_in_dim3A_299, %slice3A_300 in 1 : vector<4x8xi32>, vector<4x56xi32> -> vector<4x64xi32>
    %add3A_302 = arith.addi %add3A_297, %concatenate3A_301 : vector<4x64xi32>
    %broadcast_in_dim3A_303 = arith.constant 0 : i32
    %broadcast_in_dim3A_304 = vector.broadcast %broadcast_in_dim3A_303 : i32 to vector<4x16xi32>
    %slice3A_305 = vector.extract_strided_slice %add3A_302 {offsets = [0, 0], sizes = [4, 48], strides = [1, 1]} : vector<4x64xi32> to vector<4x48xi32>
    %concatenate3A_306 = tpu.concatenate %broadcast_in_dim3A_304, %slice3A_305 in 1 : vector<4x16xi32>, vector<4x48xi32> -> vector<4x64xi32>
    %add3A_307 = arith.addi %add3A_302, %concatenate3A_306 : vector<4x64xi32>
    %broadcast_in_dim3A_308 = arith.constant 0 : i32
    %broadcast_in_dim3A_309 = vector.broadcast %broadcast_in_dim3A_308 : i32 to vector<4x32xi32>
    %slice3A_310 = vector.extract_strided_slice %add3A_307 {offsets = [0, 0], sizes = [4, 32], strides = [1, 1]} : vector<4x64xi32> to vector<4x32xi32>
    %concatenate3A_311 = tpu.concatenate %broadcast_in_dim3A_309, %slice3A_310 in 1 : vector<4x32xi32>, vector<4x32xi32> -> vector<4x64xi32>
    %add3A_312 = arith.addi %add3A_307, %concatenate3A_311 : vector<4x64xi32>
    %broadcast_in_dim3A_313 = arith.constant 0 : i32
    %broadcast_in_dim3A_314 = vector.broadcast %broadcast_in_dim3A_313 : i32 to vector<4x1xi32>
    %slice3A_315 = vector.extract_strided_slice %sub3A_282 {offsets = [0, 0], sizes = [4, 63], strides = [1, 1]} : vector<4x64xi32> to vector<4x63xi32>
    %concatenate3A_316 = tpu.concatenate %broadcast_in_dim3A_314, %slice3A_315 in 1 : vector<4x1xi32>, vector<4x63xi32> -> vector<4x64xi32>
    %add3A_317 = arith.addi %sub3A_282, %concatenate3A_316 : vector<4x64xi32>
    %broadcast_in_dim3A_318 = arith.constant 0 : i32
    %broadcast_in_dim3A_319 = vector.broadcast %broadcast_in_dim3A_318 : i32 to vector<4x2xi32>
    %slice3A_320 = vector.extract_strided_slice %add3A_317 {offsets = [0, 0], sizes = [4, 62], strides = [1, 1]} : vector<4x64xi32> to vector<4x62xi32>
    %concatenate3A_321 = tpu.concatenate %broadcast_in_dim3A_319, %slice3A_320 in 1 : vector<4x2xi32>, vector<4x62xi32> -> vector<4x64xi32>
    %add3A_322 = arith.addi %add3A_317, %concatenate3A_321 : vector<4x64xi32>
    %broadcast_in_dim3A_323 = arith.constant 0 : i32
    %broadcast_in_dim3A_324 = vector.broadcast %broadcast_in_dim3A_323 : i32 to vector<4x4xi32>
    %slice3A_325 = vector.extract_strided_slice %add3A_322 {offsets = [0, 0], sizes = [4, 60], strides = [1, 1]} : vector<4x64xi32> to vector<4x60xi32>
    %concatenate3A_326 = tpu.concatenate %broadcast_in_dim3A_324, %slice3A_325 in 1 : vector<4x4xi32>, vector<4x60xi32> -> vector<4x64xi32>
    %add3A_327 = arith.addi %add3A_322, %concatenate3A_326 : vector<4x64xi32>
    %broadcast_in_dim3A_328 = arith.constant 0 : i32
    %broadcast_in_dim3A_329 = vector.broadcast %broadcast_in_dim3A_328 : i32 to vector<4x8xi32>
    %slice3A_330 = vector.extract_strided_slice %add3A_327 {offsets = [0, 0], sizes = [4, 56], strides = [1, 1]} : vector<4x64xi32> to vector<4x56xi32>
    %concatenate3A_331 = tpu.concatenate %broadcast_in_dim3A_329, %slice3A_330 in 1 : vector<4x8xi32>, vector<4x56xi32> -> vector<4x64xi32>
    %add3A_332 = arith.addi %add3A_327, %concatenate3A_331 : vector<4x64xi32>
    %broadcast_in_dim3A_333 = arith.constant 0 : i32
    %broadcast_in_dim3A_334 = vector.broadcast %broadcast_in_dim3A_333 : i32 to vector<4x16xi32>
    %slice3A_335 = vector.extract_strided_slice %add3A_332 {offsets = [0, 0], sizes = [4, 48], strides = [1, 1]} : vector<4x64xi32> to vector<4x48xi32>
    %concatenate3A_336 = tpu.concatenate %broadcast_in_dim3A_334, %slice3A_335 in 1 : vector<4x16xi32>, vector<4x48xi32> -> vector<4x64xi32>
    %add3A_337 = arith.addi %add3A_332, %concatenate3A_336 : vector<4x64xi32>
    %broadcast_in_dim3A_338 = arith.constant 0 : i32
    %broadcast_in_dim3A_339 = vector.broadcast %broadcast_in_dim3A_338 : i32 to vector<4x32xi32>
    %slice3A_340 = vector.extract_strided_slice %add3A_337 {offsets = [0, 0], sizes = [4, 32], strides = [1, 1]} : vector<4x64xi32> to vector<4x32xi32>
    %concatenate3A_341 = tpu.concatenate %broadcast_in_dim3A_339, %slice3A_340 in 1 : vector<4x32xi32>, vector<4x32xi32> -> vector<4x64xi32>
    %add3A_342 = arith.addi %add3A_337, %concatenate3A_341 : vector<4x64xi32>
    %slice3A_343 = vector.extract_strided_slice %add3A_312 {offsets = [0, 63], sizes = [4, 1], strides = [1, 1]} : vector<4x64xi32> to vector<4x1xi32>
    %squeeze3A_344 = vector.shape_cast %slice3A_343 : vector<4x1xi32> to vector<4xi32>
    %slice3A_345 = vector.extract_strided_slice %add3A_342 {offsets = [0, 63], sizes = [4, 1], strides = [1, 1]} : vector<4x64xi32> to vector<4x1xi32>
    %squeeze3A_346 = vector.shape_cast %slice3A_345 : vector<4x1xi32> to vector<4xi32>
    %add3A_347 = arith.addi %squeeze3A_344, %squeeze3A_346 : vector<4xi32>
    %broadcast_in_dim3A_348 = arith.constant 0 : i32
    %broadcast_in_dim3A_349 = vector.broadcast %broadcast_in_dim3A_348 : i32 to vector<1xi32>
    %slice3A_350 = vector.extract_strided_slice %add3A_347 {offsets = [0], sizes = [3], strides = [1]} : vector<4xi32> to vector<3xi32>
    %concatenate3A_351 = tpu.concatenate %broadcast_in_dim3A_349, %slice3A_350 in 0 : vector<1xi32>, vector<3xi32> -> vector<4xi32>
    %add3A_352 = arith.addi %add3A_347, %concatenate3A_351 : vector<4xi32>
    %broadcast_in_dim3A_353 = arith.constant 0 : i32
    %broadcast_in_dim3A_354 = vector.broadcast %broadcast_in_dim3A_353 : i32 to vector<2xi32>
    %slice3A_355 = vector.extract_strided_slice %add3A_352 {offsets = [0], sizes = [2], strides = [1]} : vector<4xi32> to vector<2xi32>
    %concatenate3A_356 = tpu.concatenate %broadcast_in_dim3A_354, %slice3A_355 in 0 : vector<2xi32>, vector<2xi32> -> vector<4xi32>
    %add3A_357 = arith.addi %add3A_352, %concatenate3A_356 : vector<4xi32>
    %sub3A_358 = arith.subi %add3A_357, %add3A_347 : vector<4xi32>
    %sub3A_359 = arith.subi %add3A_312, %squeeze3A : vector<4x64xi32>
    %broadcast_in_dim3A_360 = vector.shape_cast %sub3A_358 : vector<4xi32> to vector<4x1xi32>
    %add3A_361 = vector.broadcast %broadcast_in_dim3A_360 : vector<4x1xi32> to vector<4x64xi32>
    %add3A_362 = arith.addi %sub3A_359, %add3A_361 : vector<4x64xi32>
    %sub3A_363 = arith.subi %add3A_342, %sub3A_282 : vector<4x64xi32>
    %broadcast_in_dim3A_364 = vector.shape_cast %sub3A_358 : vector<4xi32> to vector<4x1xi32>
    %add3A_365 = vector.broadcast %broadcast_in_dim3A_364 : vector<4x1xi32> to vector<4x64xi32>
    %add3A_366 = arith.addi %sub3A_363, %add3A_365 : vector<4x64xi32>
    %broadcast_in_dim3A_367 = vector.shape_cast %squeeze3A_344 : vector<4xi32> to vector<4x1xi32>
    %add3A_368 = vector.broadcast %broadcast_in_dim3A_367 : vector<4x1xi32> to vector<4x64xi32>
    %add3A_369 = arith.addi %add3A_366, %add3A_368 : vector<4x64xi32>
    %sub3A_370 = arith.subi %add3A_369, %squeeze3A : vector<4x64xi32>
    %get3A_371 = arith.constant 0 : index
    %get3A_372 = memref.load %arg4[%get3A_371] : memref<1xi32, #tpu.memory_space<smem>>
    %add3A_373 = vector.broadcast %get3A_372 : i32 to vector<4x64x128xi32>
    %add3A_374 = arith.addi %add3A_373, %add3A_278 : vector<4x64x128xi32>
    %lt3A = arith.constant 64 : i32
    %lt3A_375 = vector.broadcast %lt3A : i32 to vector<4x64x128xi32>
    %lt3A_376 = arith.cmpi slt, %iota3A_13, %lt3A_375 : vector<4x64x128xi32>
    %broadcast_in_dim3A_377 = vector.shape_cast %add3A_362 : vector<4x64xi32> to vector<4x64x1xi32>
    %broadcast_in_dim3A_378 = vector.shape_cast %sub3A_370 : vector<4x64xi32> to vector<4x64x1xi32>
    %broadcast_in_dim3A_379 = vector.shape_cast %broadcast_in_dim3A_377 : vector<4x64x1xi32> to vector<4x64x1xi32>
    %broadcast_in_dim3A_380 = vector.broadcast %broadcast_in_dim3A_379 : vector<4x64x1xi32> to vector<4x64x128xi32>
    %broadcast_in_dim3A_381 = vector.shape_cast %broadcast_in_dim3A_378 : vector<4x64x1xi32> to vector<4x64x1xi32>
    %broadcast_in_dim3A_382 = vector.broadcast %broadcast_in_dim3A_381 : vector<4x64x1xi32> to vector<4x64x128xi32>
    %select_n3A_383 = arith.select %lt3A_376, %broadcast_in_dim3A_380, %broadcast_in_dim3A_382 : vector<4x64x128xi1>, vector<4x64x128xi32>
    %add3A_384 = arith.addi %add3A_374, %select_n3A_383 : vector<4x64x128xi32>
    %slice3A_385 = vector.extract_strided_slice %add3A_357 {offsets = [3], sizes = [1], strides = [1]} : vector<4xi32> to vector<1xi32>
    %squeeze3A_386 = vector.extract %slice3A_385[0] : i32 from vector<1xi32>
    %add3A_387 = arith.addi %get3A_372, %squeeze3A_386 : i32
    %swap3A = arith.constant 0 : index
    %swap3A_388 = memref.load %arg4[%swap3A] : memref<1xi32, #tpu.memory_space<smem>>
    memref.store %add3A_387, %arg4[%swap3A] : memref<1xi32, #tpu.memory_space<smem>>
    %jit3A_389 = arith.constant 0 : i32
    %broadcast_in_dim3A_390 = vector.broadcast %jit3A_389 : i32 to vector<4x64x128xi32>
    %select_n3A_391 = arith.select %ne3A_7, %while3A#1, %broadcast_in_dim3A_390 : vector<4x64x128xi1>, vector<4x64x128xi32>
    %swap3A_392 = arith.constant 0 : index
    %swap3A_393 = arith.constant 0 : index
    %swap3A_394 = arith.constant 0 : index
    %swap3A_395 = vector.load %arg2[%swap3A_392, %swap3A_393, %swap3A_394] : memref<4x64x128xi32, #tpu.memory_space<vmem>>, vector<4x64x128xi32>
    tpu.vector_store %arg2[%swap3A_392, %swap3A_393, %swap3A_394], %select_n3A_391 {strides = array<i32>} : memref<4x64x128xi32, #tpu.memory_space<vmem>>, vector<4x64x128xi32>,
    %swap3A_396 = arith.constant 0 : index
    %swap3A_397 = arith.constant 0 : index
    %swap3A_398 = arith.constant 0 : index
    %swap3A_399 = vector.load %arg3[%swap3A_396, %swap3A_397, %swap3A_398] : memref<4x64x128xi32, #tpu.memory_space<vmem>>, vector<4x64x128xi32>
    tpu.vector_store %arg3[%swap3A_396, %swap3A_397, %swap3A_398], %add3A_384 {strides = array<i32>} : memref<4x64x128xi32, #tpu.memory_space<vmem>>, vector<4x64x128xi32>,
    return
  }
  func.func @transform_0(%arg0: i32) -> (i32, i32, i32) {
    %c0_i32 = arith.constant 0 : i32
    %c0_i32_0 = arith.constant 0 : i32
    %c0_i32_1 = arith.constant 0 : i32
    return %arg0, %c0_i32, %c0_i32_0 : i32, i32, i32
  }
  func.func @transform_1(%arg0: i32) -> (i32, i32, i32) {
    %c0_i32 = arith.constant 0 : i32
    %c0_i32_0 = arith.constant 0 : i32
    %c0_i32_1 = arith.constant 0 : i32
    return %arg0, %c0_i32, %c0_i32_0 : i32, i32, i32
  }
  func.func @transform_2(%arg0: i32) -> (i32, i32, i32) {
    %c0_i32 = arith.constant 0 : i32
    %c0_i32_0 = arith.constant 0 : i32
    %c0_i32_1 = arith.constant 0 : i32
    return %arg0, %c0_i32, %c0_i32_0 : i32, i32, i32
  }
}

</mosaic_0001>

<sc_bundles>
// kernel: kernel.4.cloned.1.call-start
scs
__scs_entry_jumppad:
0x0: {  	(pc) =	sbr.rel $0x88, $3  }
0x1: {  	(tag) =	ssettag $0x0;
	lr =	simm.s32 $0x1  }
0x2: {  	[smem:$0x3FA0] =	sst lr;
	_ =	strace $0xD0000000  }
0x3: {  	_ = 	snop  }
0x4: {  	_ = 	snop  }
0x5: {  	_ = 	snop  }
0x6: {  	_ = 	snop  }
0x7: {  	_ = 	snop  }
__scs_overlays_trampoline_lowered:
0x8: {  	[smem:$0x3FAF] =	sst s0  }
0x9: {  	[smem:$0x3FB0] =	sst s1  }
0xa: {  	[smem:$0x3FB1] =	sst s2  }
0xb: {  	[smem:$0x3FB2] =	sst s3  }
0xc: {  	[smem:$0x3FB3] =	sst s4  }
0xd: {  	[smem:$0x3FB4] =	sst s5  }
0xe: {  	[smem:$0x3FB5] =	sst s6  }
0xf: {  	[smem:$0x3FB6] =	sst s7  }
0x10: {  	[smem:$0x3FB7] =	sst s8  }
0x11: {  	[smem:$0x3FB8] =	sst s9;
	s0 =	simm.s32 @!p0 $0x0  }
0x12: {  	s1 =	sld [smem:$0x3F9E];
	s0 =	simm.s32 @p0 $0x1  }
0x13: {  	[smem:$0x3FB9] =	sst s0;
	s0 =	simm.s32 @!p1 $0x0  }
0x14: {  	s2 =	sld [smem:$0x3F9D];
	s0 =	simm.s32 @p1 $0x1  }
0x15: {  	[smem:$0x3FBA] =	sst s0;
	s0 =	simm.s32 @!p2 $0x0  }
0x16: {  	s3 =	sld [smem:$0x3FDB];
	s0 =	simm.s32 @p2 $0x1  }
0x17: {  	s4 =	simm.s32 $0x1BF5;
	[smem:$0x3FBC] =	sst s0  }
0x18: {  	s0 =	sld [smem:$0x3F9F];
	_ =	swait.ge [sflag:s4], $0x0  }
0x19: {  	s7 =	sld [smem:$0x3FA0]  }
0x1a: {  	s8 =	sadd.s32 $0xFFFFE003, lr  }
0x1b: {  	s9 =	sadd.s32 $0xFFFFFEF7, lr;
	s5 =	simm.s32 $0xFFFFFFFF;
	p2 =	slt.u32 s8, $0xFFFFF086  }
0x1c: {  	p1 =	slt.u32 s9, $0xF7A;
	s5 =	simm.s32 @!p2 $0x0  }
0x1d: {  	s5 =	simm.s32 @p1 $0x1;
	p0 =	seq.s32 s7, s2  }
0x1e: {  	s7 =	smul.u32 @!p0 $0xF7A, s2;
	p2 =	seq.s32 @!p0 s5, $0x0  }
0x1f: {  	s9 =	smul.u32 $0xF7A, s1;
	s8 =	simm.s32 @!p0 $0x1BF5;
	p2 =	por !p2, p0  }
0x20: {  	[sflag:s8] =	ssyncset.s32 @!p0 $0xFFFFF086;
	s6 =	sadd.s32 @!p0 s3, s7;
	s7 =	simm.s32 @!p0 $0x108  }
0x21: {  	s3 =	sadd.s32 s3, s9;
	s6 =	sadd.s32 @!p0 $0x88, s6;
	s7 =	simm.s32 @p2 $0x1082  }
0x22: {  	[simem:s7], [sflag:s8] =	dma.local @!p0 [hbm:s6], $0xF7A  }
0x23: {  	s9 =	sor.u32 $0xD0000000, s2;
	s6 =	simm.s32 $0x108;
	_ =	swait.ge @!p0 [sflag:s8], $0x0  }
0x24: {  	s3 =	sadd.s32 $0x88, s3;
	s6 =	simm.s32 @!p1 $0x1082;
	[sflag:s4] =	ssyncset.s32 $0xFFFFF086  }
0x25: {  	[simem:s6], [sflag:s4] =	dma.local [hbm:s3], $0xF7A  }
0x26: {  	[smem:$0x3FA0] =	sst s1;
	(tag) =	ssettag s2;
	_ =	strace s9  }
0x27: {  	s1 =	sld [smem:$0x3FB0]  }
0x28: {  	s2 =	sld [smem:$0x3FB1]  }
0x29: {  	s4 =	sld [smem:$0x3FB3]  }
0x2a: {  	p0 =	seq.s32 s5, $0x0;
	s5 =	sld [smem:$0x3FB4]  }
0x2b: {  	s6 =	sld [smem:$0x3FB5]  }
0x2c: {  	s7 =	sld [smem:$0x3FB6]  }
0x2d: {  	s3 =	simm.s32 $0x108;
	s8 =	sld [smem:$0x3FB7]  }
0x2e: {  	s3 =	simm.s32 @!p0 $0x1082;
	s9 =	sld [smem:$0x3FB8]  }
0x2f: {  	lr =	sadd.s32 s0, s3;
	s0 =	sld [smem:$0x3FAF]  }
0x30: {  	s3 =	sld [smem:$0x3FB2]  }
0x31: {  	[smem:$0x3FBB] =	sst s10  }
0x32: {  	s10 =	sld [smem:$0x3FB9];
	_ =	sdelay $0x3  }
0x33: {  	p0 =	seq.s32 s10, $0x1;
	s10 =	sld [smem:$0x3FBB];
	_ =	sdelay $0x3  }
0x34: {  	[smem:$0x3FBB] =	sst s10  }
0x35: {  	s10 =	sld [smem:$0x3FBA];
	_ =	sdelay $0x3  }
0x36: {  	p1 =	seq.s32 s10, $0x1;
	s10 =	sld [smem:$0x3FBB];
	_ =	sdelay $0x3  }
0x37: {  	[smem:$0x3FBB] =	sst s10  }
0x38: {  	s10 =	sld [smem:$0x3FBC]  }
0x39: {  	_ = 	snop;
	(pc) =	sbr.ind lr, $3  }
0x3a: {  	_ = 	snop  }
0x3b: {  	_ = 	snop  }
0x3c: {  	p2 =	seq.s32 s10, $0x1;
	s10 =	sld [smem:$0x3FBB]  }
0x3d: {  	_ =	shalt  }
0x3e: {  	_ =	shalt  }
0x3f: {  	_ =	shalt  }
0x40: {  	_ =	shalt  }
0x41: {  	_ =	shalt  }
0x42: {  	_ =	shalt  }
0x43: {  	_ =	shalt  }
0x44: {  	_ =	shalt  }
0x45: {  	_ =	shalt  }
0x46: {  	_ =	shalt  }
0x47: {  	_ =	shalt  }
0x48: {  	_ =	shalt  }
0x49: {  	_ =	shalt  }
0x4a: {  	_ =	shalt  }
0x4b: {  	_ =	shalt  }
0x4c: {  	_ =	shalt  }
0x4d: {  	_ =	shalt  }
0x4e: {  	_ =	shalt  }
0x4f: {  	_ =	shalt  }
0x50: {  	_ =	shalt  }
0x51: {  	_ =	shalt  }
0x52: {  	_ =	shalt  }
0x53: {  	_ =	shalt  }
0x54: {  	_ =	shalt  }
0x55: {  	_ =	shalt  }
0x56: {  	_ =	shalt  }
0x57: {  	_ =	shalt  }
0x58: {  	_ =	shalt  }
0x59: {  	_ =	shalt  }
0x5a: {  	_ =	shalt  }
0x5b: {  	_ =	shalt  }
0x5c: {  	_ =	shalt  }
0x5d: {  	_ =	shalt  }
0x5e: {  	_ =	shalt  }
0x5f: {  	_ =	shalt  }
0x60: {  	_ =	shalt  }
0x61: {  	_ =	shalt  }
0x62: {  	_ =	shalt  }
0x63: {  	_ =	shalt  }
0x64: {  	_ =	shalt  }
0x65: {  	_ =	shalt  }
0x66: {  	_ =	shalt  }
0x67: {  	_ =	shalt  }
0x68: {  	_ =	shalt  }
0x69: {  	_ =	shalt  }
0x6a: {  	_ =	shalt  }
0x6b: {  	_ =	shalt  }
0x6c: {  	_ =	shalt  }
0x6d: {  	_ =	shalt  }
0x6e: {  	_ =	shalt  }
0x6f: {  	_ =	shalt  }
0x70: {  	_ =	shalt  }
0x71: {  	_ =	shalt  }
0x72: {  	_ =	shalt  }
0x73: {  	_ =	shalt  }
0x74: {  	_ =	shalt  }
0x75: {  	_ =	shalt  }
0x76: {  	_ =	shalt  }
0x77: {  	_ =	shalt  }
0x78: {  	_ =	shalt  }
0x79: {  	_ =	shalt  }
0x7a: {  	_ =	shalt  }
0x7b: {  	_ =	shalt  }
0x7c: {  	_ =	shalt  }
0x7d: {  	_ =	shalt  }
0x7e: {  	_ =	shalt  }
0x7f: {  	_ =	shalt  }
0x80: {  	_ =	shalt  }
0x81: {  	_ =	shalt  }
0x82: {  	_ =	shalt  }
0x83: {  	_ =	shalt  }
0x84: {  	_ =	shalt  }
0x85: {  	_ =	shalt  }
0x86: {  	_ =	shalt  }
0x87: {  	_ =	shalt  }
.Lfunc_end0:
.L_simem_size_0:
called_computation_lowered:
.L_overlay_start_0:
0x88: {  	s2 =	sld [smem:$0x3FD9]  }
0x89: {  	s3 =	sld [smem:$0x3FFE];
	_ =	sdelay $0x1  }
0x8a: {  	s1 =	srdreg.scid  }
0x8b: {  	s0 =	sand.u32 $0x1, s1  }
0x8c: {  	s16 =	sshll.u32 s0, $0xA;
	s2 =	sadd.s32 s3, s2  }
0x8d: {  	s2 =	sadd.s32 s2, s16  }
0x8e: {  	[smem:$0x3FC7] =	sst s2  }
0x8f: {  	_ = 	snop  }
0x90: {  	(tm) =	ssettm $0x1  }
0x91: {  	s17 =	sld [smem:$0x3FFB];
	_ =	sdelay $0x3  }
0x92: {  	_ =	strace s17  }
0x93: {  	s2 =	sld [smem:$0x3FFC];
	_ =	sdelay $0x3  }
0x94: {  	_ =	strace s2  }
0x95: {  	s2 =	sld [smem:$0x3FFD];
	_ =	sdelay $0x3  }
0x96: {  	_ =	strace s2  }
0x97: {  	_ =	strace $0x8FFFFFFF  }
0x98: {  	s18 =	sld [smem:$0x3FDB];
	_ =	sdelay $0x1  }
0x99: {  	s19 =	simm.s32 $_scs_section_size  }
0x9a: {  	s4 =	simm.s32 $_size__tile_overlayer_lowered;
	s5 =	simm.s32 $_tile_overlayer_lowered  }
0x9b: {  	s22 =	simm.s32 $0x1BFF;
	s21 =	sshll.u32 s5, $0x1;
	s2 =	sadd.s32 s19, s18  }
0x9c: {  	s6 =	simm.s32 $0x0;
	s20 =	sshll.u32 s4, $0x1;
	s4 =	sadd.s32 s21, s2  }
0x9d: {  	[timem:s6], [sflag:s22] =	dma.local [hbm:s4], s20  }
0x9e: {  	_ =	swait.ge [sflag:s22], s20  }
0x9f: {  	s3 =	ssub.s32 $0x0, s20;
	[sflag:s22] =	ssyncset.done $0x0  }
0xa0: {  	[sflag:s22] =	ssyncadd.s32 s3;
	_ =	sdelay $0x1  }
0xa1: {  	s23 =	simm.s32 $0x1B8B  }
0xa2: {  	_ =	swait.ge [sflag:s23], $0x1  }
0xa3: {  	[sflag:s23] =	ssyncset.done $0x0  }
0xa4: {  	s25 =	simm.s32 $0x1B8E;
	s24 =	sld [smem:$0x3FFE];
	[sflag:s23] =	ssyncadd.s32 $0xFFFFFFFF  }
0xa5: {  	s26 =	simm.s32 $execute0_lowered;
	[smem:$0x3FD2] =	sst s25  }
0xa6: {  	s4 =	sshll.u32 s26, $0x1;
	_ =	strace $0x80000046;
	[dreg:$0x1] =	wrdreg $0xFFFFFFFF  }
0xa7: {  	s28 =	simm.s32 $_size_execute0_lowered;
	s2 =	sadd.s32 s2, s4;
	[dreg:$0x0] =	wrdreg $0x0  }
0xa8: {  	s4 =	sshll.u32 s28, $0x1;
	[dreg:$0x2] =	wrdreg s2  }
0xa9: {  	[dreg:$0x3] =	wrdreg s4  }
0xaa: {  	[dreg:$0x4] =	wrdreg $0xC0  }
0xab: {  	_ =	task [dreg:s6], $0x5FFFF  }
0xac: {  	[dreg:$0x1] =	wrdreg $0xFFFFFFFF  }
0xad: {  	[dreg:$0x0] =	wrdreg $0x60  }
0xae: {  	[dreg:$0x2] =	wrdreg s24  }
0xaf: {  	[dreg:$0x3] =	wrdreg $0x9  }
0xb0: {  	_ =	task.clear_ibuf [dreg:s6], $0x4FFFF;
	_ =	strace $0x90000046  }
0xb1: {  	s29 =	simm.s32 $0x9;
	_ =	strace $0x80000048  }
0xb2: {  	_ =	swait.ge [sflag:s29], $0x1  }
0xb3: {  	[sflag:s29] =	ssyncadd.s32 $0xFFFFFFFF  }
0xb4: {  	_ =	strace $0x90000048  }
0xb5: {  	_ =	sfence  }
0xb6: {  	s30 =	sld [smem:$0x0];
	_ =	sdelay $0x2  }
0xb7: {  	s31 =	sshll.u32 s1, $0xD;
	s1 =	sshrl.u32 s1, $0x2  }
0xb8: {  	s3 =	sand.u32 $0x4000, s31;
	s1 =	sadd.s32 s1, s30  }
0xb9: {  	s0 =	sor.u32 s3, s0;
	s1 =	sshll.u32 s1, $0x11  }
0xba: {  	s0 =	sor.u32 s1, s0  }
0xbb: {  	s0 =	sadd.s32 $0x8F2B, s0  }
0xbc: {  	[sflag:s0] =	ssyncadd.remote.s32 $0x1  }
0xbd: {  	_ =	sfence.sel $0xFFFF  }
0xbe: {  	[dreg:$0x0] =	wrdreg $0xFFFFFFFF;
	(pc) =	sbr.abs _section_cstart, $3  }
0xbf: {  	[dreg:$0x1] =	wrdreg $0xFFFFFFFF  }
0xc0: {  	_ =	task.clear_ibuf [dreg:s6], $0x2FFFF;
	_ =	strace $0x9FFFFFFF  }
0xc1: {  	(tm) =	ssettm $0x7FFFFFFF  }
tec
execute0_lowered:
.L_overlay_start_1:
0x0: {  	(tag) =	ssettag $0x1  }
0x1: {  	s5 =	rddreg [dreg:$0x0]  }
0x2: {  	s0 =	rddreg [dreg:$0x1]  }
0x3: {  	s1 =	simm.s32 $0x0;
	s2 =	srdreg.scid;
	s10 =	simm.s32 $0x1  }
0x4: {  	s11 =	simm.s32 $0x2000;
	s12 =	simm.s32 $0x4000;
	[smem:$0x7FF] =	sst s1  }
0x5: {  	s3 =	sadd.s32 $0x80800, s5;
	s6 =	sand.u32 $0x1, s2;
	s4 =	sadd.s32 $0x800, s5  }
0x6: {  	s2 =	stileid.u32;
	s5 =	sadd.s32 $0x100800, s5;
	s7 =	ssub.s32 $0x2, s6  }
0x7: {  	s9 =	sshll.u32 s2, $0x5;
	s6 =	sshll.u32 s6, $0x4;
	s8 =	sshrl.u32 s7, $0x1  }
0x8: {  	_ =	strace $0x80000047;
	s6 =	sor.u32 s6, s9;
	s7 =	ssub.s32 s7, s8  }
0x9: {  	s9 =	simm.s32 $0x400;
	s8 =	simm.s32 $0x80;
	s7 =	smax.u32 s7, $0x1  }
.LBB2_1:
0xa: {  	s13 =	simm.s32 $0x0  }
.LBB2_2:
0xb: {  	s14 =	sadd.s32 s6, s13  }
0xc: {  	s16 =	sshll.u32 s13, $0x4;
	s15 =	sshll.u32 s14, $0xA  }
0xd: {  	s16 =	sand.u32 $0x70, s16;
	s17 =	sand.u32 $0x7E000, s15  }
0xe: {  	s16 =	sor.u32 s16, s17  }
0xf: {  	s17 =	simm.s32 $0x0;
	s18 =	sadd.s32 s3, s16  }
0x10: {  	[tilespmem:s17], [sflag:$0x1] =	stream.strided.gather [hbm4b:s18+s8], $0x2000, s9, s8, $0x38;
	[tilespmem:$0x5000] =	vst v63  }
0x11: {  	_ =	swait.ge [sflag:s10], $0x2000  }
0x12: {  	[sflag:s10] =	ssyncset.done $0x0  }
0x13: {  	s16 =	sadd.s32 s4, s16;
	[sflag:s10] =	ssyncadd.s32 $0xFFFFE000  }
0x14: {  	[tilespmem:s11], [sflag:$0x1] =	stream.strided.gather [hbm4b:s16+s8], $0x2000, s9, s8, $0x38;
	[tilespmem:$0x5000] =	vst v63  }
0x15: {  	_ =	swait.ge [sflag:s10], $0x2000  }
0x16: {  	p1 =	por $0x1, $0x1;
	s15 =	sand.u32 $0x7F000, s15;
	[sflag:s10] =	ssyncset.done $0x0  }
0x17: {  	s14 =	sshll.u32 s14, $0x1;
	s15 =	sadd.s32 s5, s15;
	[sflag:s10] =	ssyncadd.s32 $0xFFFFE000  }
.LBB2_3:
0x18: {  	s16 =	sor.u32 s14, s17  }
0x19: {  	s31 =	sshll.u32 s17, $0x6;
	s18 =	sshll.u32 s16, $0xC  }
0x1a: {  	p0 =	por p1, p1;
	s19 =	sand.u32 $0x3FFFFFC0, s31;
	s18 =	sor.u32 $0x1, s18  }
0x1b: {  	v1 =	vmov s31;
	s17 =	sor.u32 $0x20, s19;
	s19 =	simm.s32 $0x4020;
	v0 =	vmov s18;
	s18 =	simm.s32 $0xFFFFFFFC  }
.LBB2_4:
0x1c: {  	v2 =	vld [tilespmem:s17+$0xFFFFFFE0];
	_ =	sdelay $0x4  }
0x1d: {  	v3 =	vsub.s32 v2, v0  }
0x1e: {  	vm0 =	vgt.s32 v3, $0x0  }
0x1f: {  	v3 =	vnsel vm0, $0x0, v3  }
0x20: {  	v4 =	vshll.u32 v3, $0x1  }
0x21: {  	v3 =	vand.u32 $0x3F, v3;
	v4 =	vand.u32 $0xFFFFFF80, v4  }
0x22: {  	v3 =	vor.u32 v4, v3  }
0x23: {  	v3 =	vor.u32 v1, v3;
	_ =	sdelay $0x4  }
0x24: {  	v3 =	vld.idx.msk [tilespmem:v3+s11+$0x0], $0xffff;
	_ =	sdelay $0x3  }
0x25: {  	vm9 =	vgt.s32 v2, $0x0  }
0x26: {  	v2 =	vnsel vm9, $0x0, v3  }
0x27: {  	[tilespmem:s19+$0xFFFFFFE0] =	vst v2  }
0x28: {  	v2 =	vld [tilespmem:s17+$0xFFFFFFF0];
	_ =	sdelay $0x4  }
0x29: {  	v3 =	vsub.s32 v2, v0  }
0x2a: {  	vm10 =	vgt.s32 v3, $0x0  }
0x2b: {  	v3 =	vnsel vm10, $0x0, v3  }
0x2c: {  	v61 =	vshll.u32 v3, $0x1  }
0x2d: {  	v3 =	vand.u32 $0x3F, v3;
	v4 =	vand.u32 $0xFFFFFF80, v61  }
0x2e: {  	v3 =	vor.u32 v4, v3  }
0x2f: {  	v3 =	vor.u32 v1, v3;
	_ =	sdelay $0x4  }
0x30: {  	v3 =	vld.idx.msk [tilespmem:v3+s11+$0x0], $0xffff;
	_ =	sdelay $0x3  }
0x31: {  	vm11 =	vgt.s32 v2, $0x0  }
0x32: {  	v2 =	vnsel vm11, $0x0, v3  }
0x33: {  	[tilespmem:s19+$0xFFFFFFF0] =	vst v2  }
0x34: {  	v2 =	vld [tilespmem:s17+$0x0];
	_ =	sdelay $0x4  }
0x35: {  	v3 =	vsub.s32 v2, v0  }
0x36: {  	vm12 =	vgt.s32 v3, $0x0  }
0x37: {  	v3 =	vnsel vm12, $0x0, v3  }
0x38: {  	v62 =	vshll.u32 v3, $0x1  }
0x39: {  	v3 =	vand.u32 $0x3F, v3;
	v4 =	vand.u32 $0xFFFFFF80, v62  }
0x3a: {  	v3 =	vor.u32 v4, v3  }
0x3b: {  	v3 =	vor.u32 v1, v3;
	_ =	sdelay $0x4  }
0x3c: {  	v3 =	vld.idx.msk [tilespmem:v3+s11+$0x0], $0xffff;
	_ =	sdelay $0x3  }
0x3d: {  	vm13 =	vgt.s32 v2, $0x0  }
0x3e: {  	v2 =	vnsel vm13, $0x0, v3  }
0x3f: {  	[tilespmem:s19+$0x0] =	vst v2  }
0x40: {  	v2 =	vld [tilespmem:s17+$0x10];
	_ =	sdelay $0x4  }
0x41: {  	v3 =	vsub.s32 v2, v0  }
0x42: {  	vm14 =	vgt.s32 v3, $0x0  }
0x43: {  	v3 =	vnsel vm14, $0x0, v3  }
0x44: {  	v63 =	vshll.u32 v3, $0x1  }
0x45: {  	v3 =	vand.u32 $0x3F, v3;
	v4 =	vand.u32 $0xFFFFFF80, v63  }
0x46: {  	v3 =	vor.u32 v4, v3  }
0x47: {  	v3 =	vor.u32 v1, v3;
	_ =	sdelay $0x4  }
0x48: {  	s18 =	sadd.s32 $0x4, s18;
	v3 =	vld.idx.msk [tilespmem:v3+s11+$0x0], $0xffff  }
0x49: {  	p1 =	slt.u32 s18, $0xFC  }
.Ltmp0:
0x4a: {  	_ = 	snop;
	(pc) =	sbr.rel @p1 .LBB2_4-.Ltmp0, $4  }
0x4b: {  	_ = 	snop  }
0x4c: {  	vm15 =	vgt.s32 v2, $0x0  }
0x4d: {  	v2 =	vnsel vm15, $0x0, v3  }
0x4e: {  	s17 =	sadd.s32 $0x80, s17;
	[tilespmem:s19+$0x10] =	vst v2;
	s19 =	sadd.s32 $0x40, s19  }
0x4f: {  	s16 =	sshll.u32 s16, $0x4  }
0x50: {  	s16 =	sand.u32 $0x70, s16  }
.Ltmp1:
0x51: {  	s17 =	simm.s32 $0x1;
	s16 =	sadd.s32 s16, s15;
	(pc) =	sbr.rel @p0 .LBB2_3-.Ltmp1, $4  }
0x52: {  	[hbm4b:s16+s8] =	stream.strided.scatter [tilespmem:s12], [sflag:$0x1], $0x1000, s9, s8, $0x38;
	[tilespmem:$0x5000] =	vst v63  }
0x53: {  	_ =	swait.ge [sflag:s17], $0x1000  }
0x54: {  	[sflag:s17] =	ssyncset.done $0x0  }
0x55: {  	p1 =	por $0x0, $0x0;
	[sflag:s17] =	ssyncadd.s32 $0xFFFFF000  }
0x56: {  	s13 =	sadd.s32 $0x1, s13  }
0x57: {  	p0 =	sne.s32 s13, $0x10  }
.Ltmp2:
0x58: {  	_ = 	snop;
	(pc) =	sbr.rel @p0 .LBB2_2-.Ltmp2, $1  }
0x59: {  	_ =	sdelay $0x3  }
0x5a: {  	s1 =	sadd.s32 $0x1, s1  }
0x5b: {  	p0 =	sne.s32 s1, s7  }
.Ltmp3:
0x5c: {  	_ = 	snop;
	(pc) =	sbr.rel @p0 .LBB2_1-.Ltmp3, $1  }
0x5d: {  	_ =	sdelay $0x3  }
0x5e: {  	_ =	sfence.sel $0x180000  }
0x5f: {  	[bflag:$0x0] =	sbarrier.arrive $0xFFFF  }
0x60: {  	p0 =	sne.s32 s2, $0x0;
	_ =	strace $0x90000047  }
0x61: {  	s0 =	sadd.s32 @!p0 $0x100000, s0;
	[bflag:$0x2] =	sbarrier.arrive $0xFFFF  }
0x62: {  	[sflag:s0] =	ssyncadd.tile.s32 @!p0 $0x1;
	_ =	shalt  }
.Lfunc_end2:
_tile_overlayer_lowered:
.L_overlay_start_2:
0x63: {  	(tag) =	ssettag $0x2  }
0x64: {  	s0 =	rddreg [dreg:$0x0];
	s2 =	stileid.u32  }
0x65: {  	s1 =	rddreg [dreg:$0x1];
	p0 =	sne.s32 s2, $0x0  }
0x66: {  	s3 =	rddreg [dreg:$0x2];
	[bflag:$0x3] =	sbarrier.arrive $0xFFFF;
	s2 =	simm.s32 @!p0 $0x1C01  }
0x67: {  	[timem:s3], [sflag:s2] =	dma.local @!p0 [hbm:s0], s1  }
0x68: {  	s0 =	simm.s32 @!p0 $0x1  }
0x69: {  	_ =	swait.ge @!p0 [sflag:s0], s1  }
0x6a: {  	s1 =	ssub.s32 @!p0 $0x0, s1;
	[sflag:s0] =	ssyncset.done @!p0 $0x0  }
0x6b: {  	[sflag:s0] =	ssyncadd.s32 @!p0 s1  }
0x6c: {  	[bflag:$0x3] =	sbarrier.arrive $0xFFFF  }
0x6d: {  	_ =	shalt  }

</sc_bundles>
